<compile_context>
chip_gen: v7x
topology: tpu7x:2x2x1
jax: 0.10.2.dev20260603
libtpu: 0.0.44.dev20260713+nightly
codegen_flags: <defaults>
</compile_context>

<pallas_src>
import functools

import jax
import jax.numpy as jnp
from jax import lax
from jax.experimental import pallas as pl
from jax.experimental.pallas import tpu as pltpu
from jax.experimental.pallas import tpu_sc as plsc

NC = 2
NS = 16
ECH = 128


def _round_up(a, b):
    return (a + b - 1) // b * b


def _sc_mesh():
    return plsc.VectorSubcoreMesh(
        core_axis_name="c", subcore_axis_name="s", num_cores=NC,
        num_subcores=NS)


def _make_deg_kernel(n_pad, n_chunks):
    zrows = n_pad // NS

    @functools.partial(
        pl.kernel,
        out_type=jax.ShapeDtypeStruct((2 * n_pad,), jnp.float32),
        mesh=_sc_mesh(),
        scratch_types=[
            pltpu.VMEM((n_chunks, ECH), jnp.int32),
            pltpu.VMEM((ECH,), jnp.float32),
            pltpu.VMEM((zrows,), jnp.float32),
            pltpu.VMEM_SHARED((n_pad,), jnp.float32),
        ],
    )
    def deg_kernel(col_hbm, deg_hbm, idx_v, ones_v, zero_v, acc):
        cid = lax.axis_index("c")
        sid = lax.axis_index("s")

        for k in range(ECH // 16):
            ones_v[pl.ds(16 * k, 16)] = jnp.ones((16,), jnp.float32)

        @pl.loop(0, zrows // 16)
        def _(i):
            zero_v[pl.ds(i * 16, 16)] = jnp.zeros((16,), jnp.float32)

        pltpu.sync_copy(zero_v, acc.at[pl.ds(sid * zrows, zrows)])
        pltpu.sync_copy(col_hbm.at[cid * NS + sid], idx_v)
        plsc.subcore_barrier()

        @pl.loop(0, n_chunks)
        def _(j):
            pltpu.sync_copy(ones_v, acc.at[idx_v.at[j]], add=True)

        plsc.subcore_barrier()
        pltpu.sync_copy(acc.at[pl.ds(sid * zrows, zrows)],
                        deg_hbm.at[pl.ds(cid * n_pad + sid * zrows, zrows)])

    return deg_kernel


def _make_agg_kernel(n, n_pad, dh, n_chunks):
    orows = _round_up(-(-n // NS), 8)
    last = n - orows * (NS - 1)

    @functools.partial(
        pl.kernel,
        out_type=(jax.ShapeDtypeStruct((n, dh), jnp.float32),
                  jax.ShapeDtypeStruct((n, dh), jnp.float32)),
        mesh=_sc_mesh(),
        scratch_types=[
            pltpu.VMEM((n_chunks, ECH), jnp.int32),
            pltpu.VMEM((n_chunks, ECH), jnp.int32),
            pltpu.VMEM((ECH, dh), jnp.float32),
            pltpu.VMEM_SHARED((n_pad, dh), jnp.float32),
        ],
    )
    def agg_kernel(mlo_hbm, mhi_hbm, row_hbm, col_hbm, alo_hbm, ahi_hbm,
                   row_v, col_v, gbuf, acc):
        cid = lax.axis_index("c")
        sid = lax.axis_index("s")

        def _stage(src):
            @pl.when(sid < NS - 1)
            def _():
                pltpu.sync_copy(src.at[pl.ds(sid * orows, orows)],
                                acc.at[pl.ds(sid * orows, orows)])

            @pl.when(sid == NS - 1)
            def _():
                pltpu.sync_copy(src.at[pl.ds((NS - 1) * orows, last)],
                                acc.at[pl.ds((NS - 1) * orows, last)])

        @pl.when(cid == 0)
        def _():
            _stage(mlo_hbm)

        @pl.when(cid == 1)
        def _():
            _stage(mhi_hbm)

        pltpu.sync_copy(row_hbm.at[sid], row_v)
        pltpu.sync_copy(col_hbm.at[sid], col_v)
        plsc.subcore_barrier()

        @pl.loop(0, n_chunks)
        def _(j):
            @pl.when(cid == 0)
            def _():
                pltpu.sync_copy(mlo_hbm.at[col_v.at[j]], gbuf)

            @pl.when(cid == 1)
            def _():
                pltpu.sync_copy(mhi_hbm.at[col_v.at[j]], gbuf)

            pltpu.sync_copy(gbuf, acc.at[row_v.at[j]], add=True)

        plsc.subcore_barrier()

        def _writeback(dst):
            @pl.when(sid < NS - 1)
            def _():
                pltpu.sync_copy(acc.at[pl.ds(sid * orows, orows)],
                                dst.at[pl.ds(sid * orows, orows)])

            @pl.when(sid == NS - 1)
            def _():
                pltpu.sync_copy(acc.at[pl.ds((NS - 1) * orows, last)],
                                dst.at[pl.ds((NS - 1) * orows, last)])

        @pl.when(cid == 0)
        def _():
            _writeback(alo_hbm)

        @pl.when(cid == 1)
        def _():
            _writeback(ahi_hbm)

    return agg_kernel


def _tc_linear(x, w, b2, deg2, bm, dh):
    n, d_in = x.shape
    d_out = w.shape[0]

    def body(x_ref, w_ref, b_ref, d0_ref, d1_ref, mlo_ref, mhi_ref):
        h = lax.dot_general(x_ref[...], w_ref[...], (((1,), (1,)), ((), ())),
                            preferred_element_type=jnp.float32)
        m = (h + b_ref[...]) * lax.rsqrt(d0_ref[...] + d1_ref[...] + 1.0)
        mlo_ref[...] = m[:, :dh]
        mhi_ref[...] = m[:, dh:]

    return pl.pallas_call(
        body,
        grid=(n // bm,),
        in_specs=[
            pl.BlockSpec((bm, d_in), lambda i: (i, 0)),
            pl.BlockSpec((d_out, d_in), lambda i: (0, 0)),
            pl.BlockSpec((1, d_out), lambda i: (0, 0)),
            pl.BlockSpec((bm, 1), lambda i: (i, 0)),
            pl.BlockSpec((bm, 1), lambda i: (i, 0)),
        ],
        out_specs=[
            pl.BlockSpec((bm, dh), lambda i: (i, 0)),
            pl.BlockSpec((bm, dh), lambda i: (i, 0)),
        ],
        out_shape=[
            jax.ShapeDtypeStruct((n, dh), jnp.float32),
            jax.ShapeDtypeStruct((n, dh), jnp.float32),
        ],
    )(x, w, b2, *deg2)


def _tc_finish(alo, ahi, deg2, bm, dh):
    n = alo.shape[0]

    def body(alo_ref, ahi_ref, d0_ref, d1_ref, out_ref):
        d = lax.rsqrt(d0_ref[...] + d1_ref[...] + 1.0)
        out_ref[...] = jnp.concatenate(
            [alo_ref[...] * d, ahi_ref[...] * d], axis=1)

    half = pl.BlockSpec((bm, dh), lambda i: (i, 0))
    return pl.pallas_call(
        body,
        grid=(n // bm,),
        in_specs=[half, half,
                  pl.BlockSpec((bm, 1), lambda i: (i, 0)),
                  pl.BlockSpec((bm, 1), lambda i: (i, 0))],
        out_specs=pl.BlockSpec((bm, 2 * dh), lambda i: (i, 0)),
        out_shape=jax.ShapeDtypeStruct((n, 2 * dh), jnp.float32),
    )(alo, ahi, *deg2)


def kernel(x, edge_index, W, b):
    n, d_in = x.shape
    d_out = W.shape[0]
    e = edge_index.shape[1]
    dh = d_out // 2

    e_sub = _round_up(-(-e // NS), ECH)
    n_chunks = e_sub // ECH
    e_pad = e_sub * NS
    n_pad = _round_up(n + 1, NS * ECH)

    row = edge_index[0]
    col = edge_index[1]
    pad = e_pad - e
    rowp = jnp.concatenate(
        [row, jnp.full((pad,), n, jnp.int32)]).reshape(NS, n_chunks, ECH)
    colg = jnp.concatenate(
        [col, jnp.zeros((pad,), jnp.int32)]).reshape(NS, n_chunks, ECH)
    e32 = _round_up(-(-e // (NC * NS)), ECH)
    nc32 = e32 // ECH
    pad32 = e32 * NC * NS - e
    cold = jnp.concatenate(
        [col, jnp.full((pad32,), n, jnp.int32)]).reshape(NC * NS, nc32, ECH)

    deg = _make_deg_kernel(n_pad, nc32)(cold)
    deg2 = (deg[:n].reshape(n, 1), deg[n_pad:n_pad + n].reshape(n, 1))

    bm = 1000 if n % 1000 == 0 else 8
    mlo, mhi = _tc_linear(x, W, b.reshape(1, d_out), deg2, bm, dh)
    alo, ahi = _make_agg_kernel(n, n_pad, dh, n_chunks)(mlo, mhi, rowp, colg)
    return _tc_finish(alo, ahi, deg2, bm, dh)

# --- scband reference (transcript-rebuilt; emitter-appended) ---
"""Pipeline reference for scband-gcnconv-4698694222367 (READ-ONLY COPY).

The authoritative reference and input builder live on the scoring server;
editing this copy changes nothing except your own understanding.
"""

import jax, jax.numpy as jnp
import numpy as np

N = 10000
E = 160000
D_IN = 256
D_OUT = 256


def setup_inputs(seed: int = 0) -> dict:
    key = jax.random.key(seed)
    k1, k2, k3, k4 = jax.random.split(key, 4)
    x = jax.random.normal(k1, (N, D_IN), dtype=jnp.float32)
    edge_index = jax.random.randint(k2, (2, E), 0, N, dtype=jnp.int32)
    W = jax.random.normal(k3, (D_OUT, D_IN), dtype=jnp.float32) * (1.0 / np.sqrt(D_IN))
    b = jnp.zeros((D_OUT,), dtype=jnp.float32)
    return {"x": x, "edge_index": edge_index, "W": W, "b": b}


def reference(x, edge_index, W, b):
    # A_hat = A + I; D_hat = diag(A_hat.sum(0)); out = D^-1/2 A_hat D^-1/2 (X W^T + b)
    row = edge_index[0]
    col = edge_index[1]
    n = x.shape[0]
    # column sums of A_hat (A.sum over dim 0 plus 1 from identity)
    deg = jnp.zeros((n,), dtype=jnp.float32).at[col].add(1.0) + 1.0
    d_invsqrt = deg ** (-0.5)
    # linear layer: H = X W^T + b
    H = x @ W.T + b
    # right-multiply by D^-1/2: scale rows of H by d_invsqrt
    M = H * d_invsqrt[:, None]
    # A_hat @ M = A @ M + M (identity part); sparse matmul via scatter-add over edges
    agg = jnp.zeros_like(M).at[row].add(M[col]) + M
    # left-multiply by D^-1/2
    out = agg * d_invsqrt[:, None]
    return out

if __name__ == "__main__":
    import jax
    _d = setup_inputs()
    print(jax.jit(kernel)(*tuple(_d.values())))

</pallas_src>

<mosaic_0001>
#map = affine_map<(d0, d1) -> (0, 0, 0)>
#map1 = affine_map<(d0, d1) -> (0)>
module attributes {stable_mosaic.version = 14 : i64} {
  func.func @deg_kernel(%arg0: i32, %arg1: i32, %arg2: memref<32x40x128xi32, #tpu.memory_space<hbm>>, %arg3: memref<20480xf32, #tpu.memory_space<hbm>>, %arg4: memref<40x128xi32, #tpu.memory_space<vmem>>, %arg5: memref<128xf32, #tpu.memory_space<vmem>>, %arg6: memref<640xf32, #tpu.memory_space<vmem>>, %arg7: memref<10240xf32, #tpu.memory_space<vmem_shared>>) attributes {dimension_semantics = [#tpu.dimension_semantics<core_parallel>, #tpu.dimension_semantics<subcore_parallel>], iteration_bounds = array<i64: 2, 16>, scalar_prefetch = 0 : i64, scratch_operands = 4 : i64, tpu.core_type = #tpu.core_type<sc_vector_subcore>, window_params = [{transform_indices = #map}, {transform_indices = #map1}]} {
    %broadcast_in_dim3A = arith.constant 1.000000e+00 : f32
    %broadcast_in_dim3A_0 = vector.broadcast %broadcast_in_dim3A : f32 to vector<16xf32>
    %swap3A = arith.constant 0 : index
    %swap3A_1 = tpu.vector_load %arg5[%swap3A] {strides = array<i32>} : memref<128xf32, #tpu.memory_space<vmem>>, vector<16xf32>,
    %swap3A_2 = vector.shape_cast %swap3A_1 : vector<16xf32> to vector<16xf32>
    %swap3A_3 = vector.shape_cast %broadcast_in_dim3A_0 : vector<16xf32> to vector<16xf32>
    tpu.vector_store %arg5[%swap3A], %swap3A_3 {strides = array<i32>} : memref<128xf32, #tpu.memory_space<vmem>>, vector<16xf32>,
    %broadcast_in_dim3A_4 = arith.constant 1.000000e+00 : f32
    %broadcast_in_dim3A_5 = vector.broadcast %broadcast_in_dim3A_4 : f32 to vector<16xf32>
    %swap3A_6 = arith.constant 16 : index
    %swap3A_7 = tpu.vector_load %arg5[%swap3A_6] {strides = array<i32>} : memref<128xf32, #tpu.memory_space<vmem>>, vector<16xf32>,
    %swap3A_8 = vector.shape_cast %swap3A_7 : vector<16xf32> to vector<16xf32>
    %swap3A_9 = vector.shape_cast %broadcast_in_dim3A_5 : vector<16xf32> to vector<16xf32>
    tpu.vector_store %arg5[%swap3A_6], %swap3A_9 {strides = array<i32>} : memref<128xf32, #tpu.memory_space<vmem>>, vector<16xf32>,
    %broadcast_in_dim3A_10 = arith.constant 1.000000e+00 : f32
    %broadcast_in_dim3A_11 = vector.broadcast %broadcast_in_dim3A_10 : f32 to vector<16xf32>
    %swap3A_12 = arith.constant 32 : index
    %swap3A_13 = tpu.vector_load %arg5[%swap3A_12] {strides = array<i32>} : memref<128xf32, #tpu.memory_space<vmem>>, vector<16xf32>,
    %swap3A_14 = vector.shape_cast %swap3A_13 : vector<16xf32> to vector<16xf32>
    %swap3A_15 = vector.shape_cast %broadcast_in_dim3A_11 : vector<16xf32> to vector<16xf32>
    tpu.vector_store %arg5[%swap3A_12], %swap3A_15 {strides = array<i32>} : memref<128xf32, #tpu.memory_space<vmem>>, vector<16xf32>,
    %broadcast_in_dim3A_16 = arith.constant 1.000000e+00 : f32
    %broadcast_in_dim3A_17 = vector.broadcast %broadcast_in_dim3A_16 : f32 to vector<16xf32>
    %swap3A_18 = arith.constant 48 : index
    %swap3A_19 = tpu.vector_load %arg5[%swap3A_18] {strides = array<i32>} : memref<128xf32, #tpu.memory_space<vmem>>, vector<16xf32>,
    %swap3A_20 = vector.shape_cast %swap3A_19 : vector<16xf32> to vector<16xf32>
    %swap3A_21 = vector.shape_cast %broadcast_in_dim3A_17 : vector<16xf32> to vector<16xf32>
    tpu.vector_store %arg5[%swap3A_18], %swap3A_21 {strides = array<i32>} : memref<128xf32, #tpu.memory_space<vmem>>, vector<16xf32>,
    %broadcast_in_dim3A_22 = arith.constant 1.000000e+00 : f32
    %broadcast_in_dim3A_23 = vector.broadcast %broadcast_in_dim3A_22 : f32 to vector<16xf32>
    %swap3A_24 = arith.constant 64 : index
    %swap3A_25 = tpu.vector_load %arg5[%swap3A_24] {strides = array<i32>} : memref<128xf32, #tpu.memory_space<vmem>>, vector<16xf32>,
    %swap3A_26 = vector.shape_cast %swap3A_25 : vector<16xf32> to vector<16xf32>
    %swap3A_27 = vector.shape_cast %broadcast_in_dim3A_23 : vector<16xf32> to vector<16xf32>
    tpu.vector_store %arg5[%swap3A_24], %swap3A_27 {strides = array<i32>} : memref<128xf32, #tpu.memory_space<vmem>>, vector<16xf32>,
    %broadcast_in_dim3A_28 = arith.constant 1.000000e+00 : f32
    %broadcast_in_dim3A_29 = vector.broadcast %broadcast_in_dim3A_28 : f32 to vector<16xf32>
    %swap3A_30 = arith.constant 80 : index
    %swap3A_31 = tpu.vector_load %arg5[%swap3A_30] {strides = array<i32>} : memref<128xf32, #tpu.memory_space<vmem>>, vector<16xf32>,
    %swap3A_32 = vector.shape_cast %swap3A_31 : vector<16xf32> to vector<16xf32>
    %swap3A_33 = vector.shape_cast %broadcast_in_dim3A_29 : vector<16xf32> to vector<16xf32>
    tpu.vector_store %arg5[%swap3A_30], %swap3A_33 {strides = array<i32>} : memref<128xf32, #tpu.memory_space<vmem>>, vector<16xf32>,
    %broadcast_in_dim3A_34 = arith.constant 1.000000e+00 : f32
    %broadcast_in_dim3A_35 = vector.broadcast %broadcast_in_dim3A_34 : f32 to vector<16xf32>
    %swap3A_36 = arith.constant 96 : index
    %swap3A_37 = tpu.vector_load %arg5[%swap3A_36] {strides = array<i32>} : memref<128xf32, #tpu.memory_space<vmem>>, vector<16xf32>,
    %swap3A_38 = vector.shape_cast %swap3A_37 : vector<16xf32> to vector<16xf32>
    %swap3A_39 = vector.shape_cast %broadcast_in_dim3A_35 : vector<16xf32> to vector<16xf32>
    tpu.vector_store %arg5[%swap3A_36], %swap3A_39 {strides = array<i32>} : memref<128xf32, #tpu.memory_space<vmem>>, vector<16xf32>,
    %broadcast_in_dim3A_40 = arith.constant 1.000000e+00 : f32
    %broadcast_in_dim3A_41 = vector.broadcast %broadcast_in_dim3A_40 : f32 to vector<16xf32>
    %swap3A_42 = arith.constant 112 : index
    %swap3A_43 = tpu.vector_load %arg5[%swap3A_42] {strides = array<i32>} : memref<128xf32, #tpu.memory_space<vmem>>, vector<16xf32>,
    %swap3A_44 = vector.shape_cast %swap3A_43 : vector<16xf32> to vector<16xf32>
    %swap3A_45 = vector.shape_cast %broadcast_in_dim3A_41 : vector<16xf32> to vector<16xf32>
    tpu.vector_store %arg5[%swap3A_42], %swap3A_45 {strides = array<i32>} : memref<128xf32, #tpu.memory_space<vmem>>, vector<16xf32>,
    %scan3A = arith.constant 0 : i32
    %scan3A_46 = arith.constant 40 : i32
    %scan3A_47 = arith.addi %scan3A, %scan3A_46 : i32
    %scan3A_48 = arith.constant 1 : i32
    scf.for %scan3A_66 = %scan3A to %scan3A_47 step %scan3A_48  : i32 {
      %mul3A_67 = arith.constant 1 : i32
      %mul3A_68 = arith.muli %scan3A_66, %mul3A_67 : i32
      %add3A_69 = arith.constant 0 : i32
      %add3A_70 = arith.addi %add3A_69, %mul3A_68 : i32
      %broadcast_in_dim3A_71 = arith.constant 0.000000e+00 : f32
      %broadcast_in_dim3A_72 = vector.broadcast %broadcast_in_dim3A_71 : f32 to vector<16xf32>
      %mul3A_73 = arith.constant 16 : i32
      %mul3A_74 = arith.muli %add3A_70, %mul3A_73 : i32
      %swap3A_75 = arith.index_cast %mul3A_74 : i32 to index
      %swap3A_76 = tpu.vector_load %arg6[%swap3A_75] {strides = array<i32>} : memref<640xf32, #tpu.memory_space<vmem>>, vector<16xf32>,
      %swap3A_77 = vector.shape_cast %swap3A_76 : vector<16xf32> to vector<16xf32>
      %swap3A_78 = vector.shape_cast %broadcast_in_dim3A_72 : vector<16xf32> to vector<16xf32>
      tpu.vector_store %arg6[%swap3A_75], %swap3A_78 {strides = array<i32>} : memref<640xf32, #tpu.memory_space<vmem>>, vector<16xf32>,
    }
    %scan3A_49 = arith.constant 40 : i32
    %mul3A = arith.constant 640 : i32
    %mul3A_50 = arith.muli %arg1, %mul3A : i32
    "tpu.region"() ({
      %run_scoped3A = tpu.sem_alloc : memref<!tpu.dma_semaphore, #tpu.memory_space<semaphore_mem>>
      %dma_start3A = tpu.memref_slice %arg7[%mul3A_50] : memref<10240xf32, #tpu.memory_space<vmem_shared>> -> memref<640xf32, #tpu.memory_space<vmem_shared>>
      %dma_start3A_66 = tpu.memref_slice %arg7[%mul3A_50] : memref<10240xf32, #tpu.memory_space<vmem_shared>> -> memref<640xf32, #tpu.memory_space<vmem_shared>>
      tpu.enqueue_dma source(%arg6 : memref<640xf32, #tpu.memory_space<vmem>>) target(%dma_start3A_66 : memref<640xf32, #tpu.memory_space<vmem_shared>>) target_semaphore(%run_scoped3A : memref<!tpu.dma_semaphore, #tpu.memory_space<semaphore_mem>>)
      %dma_wait3A = tpu.memref_slice %arg7[%mul3A_50] : memref<10240xf32, #tpu.memory_space<vmem_shared>> -> memref<640xf32, #tpu.memory_space<vmem_shared>>
      %dma_wait3A_67 = tpu.memref_slice %arg7[%mul3A_50] : memref<10240xf32, #tpu.memory_space<vmem_shared>> -> memref<640xf32, #tpu.memory_space<vmem_shared>>
      tpu.wait_dma2 semaphore(%run_scoped3A : memref<!tpu.dma_semaphore, #tpu.memory_space<semaphore_mem>>) src(%arg6 : memref<640xf32, #tpu.memory_space<vmem>>) dst(%dma_wait3A_67 : memref<640xf32, #tpu.memory_space<vmem_shared>>)
      tpu.yield
    }) : () -> ()
    %mul3A_51 = arith.constant 16 : i32
    %mul3A_52 = arith.muli %arg0, %mul3A_51 : i32
    %add3A = arith.addi %mul3A_52, %arg1 : i32
    "tpu.region"() ({
      %run_scoped3A = tpu.sem_alloc : memref<!tpu.dma_semaphore, #tpu.memory_space<semaphore_mem>>
      %dma_start3A = arith.constant 0 : i32
      %dma_start3A_66 = arith.constant 0 : i32
      %dma_start3A_67 = tpu.memref_slice %arg2[%add3A, %dma_start3A, %dma_start3A_66] : memref<32x40x128xi32, #tpu.memory_space<hbm>> -> memref<1x40x128xi32, #tpu.memory_space<hbm>>
      %dma_start3A_68 = tpu.memref_squeeze %dma_start3A_67 : memref<1x40x128xi32, #tpu.memory_space<hbm>> -> memref<40x128xi32, #tpu.memory_space<hbm>>
      %dma_start3A_69 = arith.constant 0 : i32
      %dma_start3A_70 = arith.constant 0 : i32
      %dma_start3A_71 = tpu.memref_slice %arg2[%add3A, %dma_start3A_69, %dma_start3A_70] : memref<32x40x128xi32, #tpu.memory_space<hbm>> -> memref<1x40x128xi32, #tpu.memory_space<hbm>>
      %dma_start3A_72 = tpu.memref_squeeze %dma_start3A_71 : memref<1x40x128xi32, #tpu.memory_space<hbm>> -> memref<40x128xi32, #tpu.memory_space<hbm>>
      tpu.enqueue_dma source(%dma_start3A_72 : memref<40x128xi32, #tpu.memory_space<hbm>>) target(%arg4 : memref<40x128xi32, #tpu.memory_space<vmem>>) target_semaphore(%run_scoped3A : memref<!tpu.dma_semaphore, #tpu.memory_space<semaphore_mem>>)
      %dma_wait3A = arith.constant 0 : i32
      %dma_wait3A_73 = arith.constant 0 : i32
      %dma_wait3A_74 = tpu.memref_slice %arg2[%add3A, %dma_wait3A, %dma_wait3A_73] : memref<32x40x128xi32, #tpu.memory_space<hbm>> -> memref<1x40x128xi32, #tpu.memory_space<hbm>>
      %dma_wait3A_75 = tpu.memref_squeeze %dma_wait3A_74 : memref<1x40x128xi32, #tpu.memory_space<hbm>> -> memref<40x128xi32, #tpu.memory_space<hbm>>
      %dma_wait3A_76 = arith.constant 0 : i32
      %dma_wait3A_77 = arith.constant 0 : i32
      %dma_wait3A_78 = tpu.memref_slice %arg2[%add3A, %dma_wait3A_76, %dma_wait3A_77] : memref<32x40x128xi32, #tpu.memory_space<hbm>> -> memref<1x40x128xi32, #tpu.memory_space<hbm>>
      %dma_wait3A_79 = tpu.memref_squeeze %dma_wait3A_78 : memref<1x40x128xi32, #tpu.memory_space<hbm>> -> memref<40x128xi32, #tpu.memory_space<hbm>>
      tpu.wait_dma2 semaphore(%run_scoped3A : memref<!tpu.dma_semaphore, #tpu.memory_space<semaphore_mem>>) src(%dma_wait3A_79 : memref<40x128xi32, #tpu.memory_space<hbm>>) dst(%arg4 : memref<40x128xi32, #tpu.memory_space<vmem>>)
      tpu.yield
    }) : () -> ()
    %barrier3A = arith.constant 0 : index
    tpu.barrier barrier_id(%barrier3A)
    %scan3A_53 = arith.constant 0 : i32
    %scan3A_54 = arith.constant 40 : i32
    %scan3A_55 = arith.addi %scan3A_53, %scan3A_54 : i32
    %scan3A_56 = arith.constant 1 : i32
    scf.for %scan3A_66 = %scan3A_53 to %scan3A_55 step %scan3A_56  : i32 {
      %mul3A_67 = arith.constant 1 : i32
      %mul3A_68 = arith.muli %scan3A_66, %mul3A_67 : i32
      %add3A_69 = arith.constant 0 : i32
      %add3A_70 = arith.addi %add3A_69, %mul3A_68 : i32
      "tpu.region"() ({
        %run_scoped3A = tpu.sem_alloc : memref<!tpu.dma_semaphore, #tpu.memory_space<semaphore_mem>>
        %dma_start3A = arith.constant 0 : i32
        %dma_start3A_71 = tpu.memref_slice %arg4[%add3A_70, %dma_start3A] : memref<40x128xi32, #tpu.memory_space<vmem>> -> memref<1x128xi32, #tpu.memory_space<vmem>>
        %dma_start3A_72 = tpu.memref_squeeze %dma_start3A_71 : memref<1x128xi32, #tpu.memory_space<vmem>> -> memref<128xi32, #tpu.memory_space<vmem>>
        %dma_start3A_73 = arith.constant 0 : i32
        %dma_start3A_74 = tpu.memref_slice %arg7[%dma_start3A_73] : memref<10240xf32, #tpu.memory_space<vmem_shared>> -> memref<10240xf32, #tpu.memory_space<vmem_shared>>
        tpu.enqueue_indirect_dma source(%arg5 : memref<128xf32, #tpu.memory_space<vmem>>) target(%dma_start3A_74 : memref<10240xf32, #tpu.memory_space<vmem_shared>>) offsets(%dma_start3A_72 : memref<128xi32, #tpu.memory_space<vmem>>) semaphore(%run_scoped3A : memref<!tpu.dma_semaphore, #tpu.memory_space<semaphore_mem>>) {add = true}
        %dma_wait3A = arith.constant 0 : i32
        %dma_wait3A_75 = tpu.memref_slice %arg4[%add3A_70, %dma_wait3A] : memref<40x128xi32, #tpu.memory_space<vmem>> -> memref<1x128xi32, #tpu.memory_space<vmem>>
        %dma_wait3A_76 = tpu.memref_squeeze %dma_wait3A_75 : memref<1x128xi32, #tpu.memory_space<vmem>> -> memref<128xi32, #tpu.memory_space<vmem>>
        %dma_wait3A_77 = arith.constant 0 : i32
        %dma_wait3A_78 = tpu.memref_slice %arg7[%dma_wait3A_77] : memref<10240xf32, #tpu.memory_space<vmem_shared>> -> memref<10240xf32, #tpu.memory_space<vmem_shared>>
        tpu.wait_indirect_dma semaphore(%run_scoped3A : memref<!tpu.dma_semaphore, #tpu.memory_space<semaphore_mem>>) src(%arg5 : memref<128xf32, #tpu.memory_space<vmem>>) dst(%dma_wait3A_78 : memref<10240xf32, #tpu.memory_space<vmem_shared>>)
        tpu.yield
      }) : () -> ()
    }
    %scan3A_57 = arith.constant 40 : i32
    %barrier3A_58 = arith.constant 0 : index
    tpu.barrier barrier_id(%barrier3A_58)
    %mul3A_59 = arith.constant 640 : i32
    %mul3A_60 = arith.muli %arg1, %mul3A_59 : i32
    %mul3A_61 = arith.constant 10240 : i32
    %mul3A_62 = arith.muli %arg0, %mul3A_61 : i32
    %mul3A_63 = arith.constant 640 : i32
    %mul3A_64 = arith.muli %arg1, %mul3A_63 : i32
    %add3A_65 = arith.addi %mul3A_62, %mul3A_64 : i32
    "tpu.region"() ({
      %run_scoped3A = tpu.sem_alloc : memref<!tpu.dma_semaphore, #tpu.memory_space<semaphore_mem>>
      %dma_start3A = tpu.memref_slice %arg3[%add3A_65] : memref<20480xf32, #tpu.memory_space<hbm>> -> memref<640xf32, #tpu.memory_space<hbm>>
      %dma_start3A_66 = tpu.memref_slice %arg7[%mul3A_60] : memref<10240xf32, #tpu.memory_space<vmem_shared>> -> memref<640xf32, #tpu.memory_space<vmem_shared>>
      tpu.enqueue_dma source(%dma_start3A_66 : memref<640xf32, #tpu.memory_space<vmem_shared>>) target(%dma_start3A : memref<640xf32, #tpu.memory_space<hbm>>) target_semaphore(%run_scoped3A : memref<!tpu.dma_semaphore, #tpu.memory_space<semaphore_mem>>)
      %dma_wait3A = tpu.memref_slice %arg3[%add3A_65] : memref<20480xf32, #tpu.memory_space<hbm>> -> memref<640xf32, #tpu.memory_space<hbm>>
      %dma_wait3A_67 = tpu.memref_slice %arg7[%mul3A_60] : memref<10240xf32, #tpu.memory_space<vmem_shared>> -> memref<640xf32, #tpu.memory_space<vmem_shared>>
      tpu.wait_dma2 semaphore(%run_scoped3A : memref<!tpu.dma_semaphore, #tpu.memory_space<semaphore_mem>>) src(%dma_wait3A_67 : memref<640xf32, #tpu.memory_space<vmem_shared>>) dst(%dma_wait3A : memref<640xf32, #tpu.memory_space<hbm>>)
      tpu.yield
    }) : () -> ()
    return
  }
}

#map = affine_map<(d0, d1) -> (0, 0)>
#map1 = affine_map<(d0, d1) -> (0, 0, 0)>
module attributes {stable_mosaic.version = 14 : i64} {
  func.func @agg_kernel(%arg0: i32, %arg1: i32, %arg2: memref<10000x128xf32, #tpu.memory_space<hbm>>, %arg3: memref<10000x128xf32, #tpu.memory_space<hbm>>, %arg4: memref<16x79x128xi32, #tpu.memory_space<hbm>>, %arg5: memref<16x79x128xi32, #tpu.memory_space<hbm>>, %arg6: memref<10000x128xf32, #tpu.memory_space<hbm>>, %arg7: memref<10000x128xf32, #tpu.memory_space<hbm>>, %arg8: memref<79x128xi32, #tpu.memory_space<vmem>>, %arg9: memref<79x128xi32, #tpu.memory_space<vmem>>, %arg10: memref<128x128xf32, #tpu.memory_space<vmem>>, %arg11: memref<10240x128xf32, #tpu.memory_space<vmem_shared>>) attributes {dimension_semantics = [#tpu.dimension_semantics<core_parallel>, #tpu.dimension_semantics<subcore_parallel>], iteration_bounds = array<i64: 2, 16>, scalar_prefetch = 0 : i64, scratch_operands = 4 : i64, tpu.core_type = #tpu.core_type<sc_vector_subcore>, window_params = [{transform_indices = #map}, {transform_indices = #map}, {transform_indices = #map1}, {transform_indices = #map1}, {transform_indices = #map}, {transform_indices = #map}]} {
    %eq3A = arith.constant 0 : i32
    %eq3A_0 = arith.cmpi eq, %arg0, %eq3A : i32
    %convert_element_type3A = arith.extui %eq3A_0 : i1 to i32
    %cond3A = arith.constant 0 : i32
    %cond3A_1 = arith.cmpi ne, %convert_element_type3A, %cond3A : i32
    scf.if %cond3A_1 {
      %lt3A = arith.constant 15 : i32
      %lt3A_22 = arith.cmpi slt, %arg1, %lt3A : i32
      %convert_element_type3A_23 = arith.extui %lt3A_22 : i1 to i32
      %cond3A_24 = arith.constant 0 : i32
      %cond3A_25 = arith.cmpi ne, %convert_element_type3A_23, %cond3A_24 : i32
      scf.if %cond3A_25 {
        %mul3A = arith.constant 632 : i32
        %mul3A_31 = arith.muli %arg1, %mul3A : i32
        %mul3A_32 = arith.constant 632 : i32
        %mul3A_33 = arith.muli %arg1, %mul3A_32 : i32
        "tpu.region"() ({
          %run_scoped3A = tpu.sem_alloc : memref<!tpu.dma_semaphore, #tpu.memory_space<semaphore_mem>>
          %dma_start3A = arith.constant 0 : i32
          %dma_start3A_34 = tpu.memref_slice %arg11[%mul3A_33, %dma_start3A] : memref<10240x128xf32, #tpu.memory_space<vmem_shared>> -> memref<632x128xf32, #tpu.memory_space<vmem_shared>>
          %dma_start3A_35 = arith.constant 0 : i32
          %dma_start3A_36 = tpu.memref_slice %arg2[%mul3A_31, %dma_start3A_35] : memref<10000x128xf32, #tpu.memory_space<hbm>> -> memref<632x128xf32, #tpu.memory_space<hbm>>
          tpu.enqueue_dma source(%dma_start3A_36 : memref<632x128xf32, #tpu.memory_space<hbm>>) target(%dma_start3A_34 : memref<632x128xf32, #tpu.memory_space<vmem_shared>>) target_semaphore(%run_scoped3A : memref<!tpu.dma_semaphore, #tpu.memory_space<semaphore_mem>>)
          %dma_wait3A = arith.constant 0 : i32
          %dma_wait3A_37 = tpu.memref_slice %arg11[%mul3A_33, %dma_wait3A] : memref<10240x128xf32, #tpu.memory_space<vmem_shared>> -> memref<632x128xf32, #tpu.memory_space<vmem_shared>>
          %dma_wait3A_38 = arith.constant 0 : i32
          %dma_wait3A_39 = tpu.memref_slice %arg2[%mul3A_31, %dma_wait3A_38] : memref<10000x128xf32, #tpu.memory_space<hbm>> -> memref<632x128xf32, #tpu.memory_space<hbm>>
          tpu.wait_dma2 semaphore(%run_scoped3A : memref<!tpu.dma_semaphore, #tpu.memory_space<semaphore_mem>>) src(%dma_wait3A_39 : memref<632x128xf32, #tpu.memory_space<hbm>>) dst(%dma_wait3A_37 : memref<632x128xf32, #tpu.memory_space<vmem_shared>>)
          tpu.yield
        }) : () -> ()
      } else {
      }
      %eq3A_26 = arith.constant 15 : i32
      %eq3A_27 = arith.cmpi eq, %arg1, %eq3A_26 : i32
      %convert_element_type3A_28 = arith.extui %eq3A_27 : i1 to i32
      %cond3A_29 = arith.constant 0 : i32
      %cond3A_30 = arith.cmpi ne, %convert_element_type3A_28, %cond3A_29 : i32
      scf.if %cond3A_30 {
        "tpu.region"() ({
          %run_scoped3A = tpu.sem_alloc : memref<!tpu.dma_semaphore, #tpu.memory_space<semaphore_mem>>
          %dma_start3A = arith.constant 9480 : i32
          %dma_start3A_31 = arith.constant 0 : i32
          %dma_start3A_32 = tpu.memref_slice %arg11[%dma_start3A, %dma_start3A_31] : memref<10240x128xf32, #tpu.memory_space<vmem_shared>> -> memref<520x128xf32, #tpu.memory_space<vmem_shared>>
          %dma_start3A_33 = arith.constant 9480 : i32
          %dma_start3A_34 = arith.constant 0 : i32
          %dma_start3A_35 = tpu.memref_slice %arg2[%dma_start3A_33, %dma_start3A_34] : memref<10000x128xf32, #tpu.memory_space<hbm>> -> memref<520x128xf32, #tpu.memory_space<hbm>>
          tpu.enqueue_dma source(%dma_start3A_35 : memref<520x128xf32, #tpu.memory_space<hbm>>) target(%dma_start3A_32 : memref<520x128xf32, #tpu.memory_space<vmem_shared>>) target_semaphore(%run_scoped3A : memref<!tpu.dma_semaphore, #tpu.memory_space<semaphore_mem>>)
          %dma_wait3A = arith.constant 9480 : i32
          %dma_wait3A_36 = arith.constant 0 : i32
          %dma_wait3A_37 = tpu.memref_slice %arg11[%dma_wait3A, %dma_wait3A_36] : memref<10240x128xf32, #tpu.memory_space<vmem_shared>> -> memref<520x128xf32, #tpu.memory_space<vmem_shared>>
          %dma_wait3A_38 = arith.constant 9480 : i32
          %dma_wait3A_39 = arith.constant 0 : i32
          %dma_wait3A_40 = tpu.memref_slice %arg2[%dma_wait3A_38, %dma_wait3A_39] : memref<10000x128xf32, #tpu.memory_space<hbm>> -> memref<520x128xf32, #tpu.memory_space<hbm>>
          tpu.wait_dma2 semaphore(%run_scoped3A : memref<!tpu.dma_semaphore, #tpu.memory_space<semaphore_mem>>) src(%dma_wait3A_40 : memref<520x128xf32, #tpu.memory_space<hbm>>) dst(%dma_wait3A_37 : memref<520x128xf32, #tpu.memory_space<vmem_shared>>)
          tpu.yield
        }) : () -> ()
      } else {
      }
    } else {
    }
    %eq3A_2 = arith.constant 1 : i32
    %eq3A_3 = arith.cmpi eq, %arg0, %eq3A_2 : i32
    %convert_element_type3A_4 = arith.extui %eq3A_3 : i1 to i32
    %cond3A_5 = arith.constant 0 : i32
    %cond3A_6 = arith.cmpi ne, %convert_element_type3A_4, %cond3A_5 : i32
    scf.if %cond3A_6 {
      %lt3A = arith.constant 15 : i32
      %lt3A_22 = arith.cmpi slt, %arg1, %lt3A : i32
      %convert_element_type3A_23 = arith.extui %lt3A_22 : i1 to i32
      %cond3A_24 = arith.constant 0 : i32
      %cond3A_25 = arith.cmpi ne, %convert_element_type3A_23, %cond3A_24 : i32
      scf.if %cond3A_25 {
        %mul3A = arith.constant 632 : i32
        %mul3A_31 = arith.muli %arg1, %mul3A : i32
        %mul3A_32 = arith.constant 632 : i32
        %mul3A_33 = arith.muli %arg1, %mul3A_32 : i32
        "tpu.region"() ({
          %run_scoped3A = tpu.sem_alloc : memref<!tpu.dma_semaphore, #tpu.memory_space<semaphore_mem>>
          %dma_start3A = arith.constant 0 : i32
          %dma_start3A_34 = tpu.memref_slice %arg11[%mul3A_33, %dma_start3A] : memref<10240x128xf32, #tpu.memory_space<vmem_shared>> -> memref<632x128xf32, #tpu.memory_space<vmem_shared>>
          %dma_start3A_35 = arith.constant 0 : i32
          %dma_start3A_36 = tpu.memref_slice %arg3[%mul3A_31, %dma_start3A_35] : memref<10000x128xf32, #tpu.memory_space<hbm>> -> memref<632x128xf32, #tpu.memory_space<hbm>>
          tpu.enqueue_dma source(%dma_start3A_36 : memref<632x128xf32, #tpu.memory_space<hbm>>) target(%dma_start3A_34 : memref<632x128xf32, #tpu.memory_space<vmem_shared>>) target_semaphore(%run_scoped3A : memref<!tpu.dma_semaphore, #tpu.memory_space<semaphore_mem>>)
          %dma_wait3A = arith.constant 0 : i32
          %dma_wait3A_37 = tpu.memref_slice %arg11[%mul3A_33, %dma_wait3A] : memref<10240x128xf32, #tpu.memory_space<vmem_shared>> -> memref<632x128xf32, #tpu.memory_space<vmem_shared>>
          %dma_wait3A_38 = arith.constant 0 : i32
          %dma_wait3A_39 = tpu.memref_slice %arg3[%mul3A_31, %dma_wait3A_38] : memref<10000x128xf32, #tpu.memory_space<hbm>> -> memref<632x128xf32, #tpu.memory_space<hbm>>
          tpu.wait_dma2 semaphore(%run_scoped3A : memref<!tpu.dma_semaphore, #tpu.memory_space<semaphore_mem>>) src(%dma_wait3A_39 : memref<632x128xf32, #tpu.memory_space<hbm>>) dst(%dma_wait3A_37 : memref<632x128xf32, #tpu.memory_space<vmem_shared>>)
          tpu.yield
        }) : () -> ()
      } else {
      }
      %eq3A_26 = arith.constant 15 : i32
      %eq3A_27 = arith.cmpi eq, %arg1, %eq3A_26 : i32
      %convert_element_type3A_28 = arith.extui %eq3A_27 : i1 to i32
      %cond3A_29 = arith.constant 0 : i32
      %cond3A_30 = arith.cmpi ne, %convert_element_type3A_28, %cond3A_29 : i32
      scf.if %cond3A_30 {
        "tpu.region"() ({
          %run_scoped3A = tpu.sem_alloc : memref<!tpu.dma_semaphore, #tpu.memory_space<semaphore_mem>>
          %dma_start3A = arith.constant 9480 : i32
          %dma_start3A_31 = arith.constant 0 : i32
          %dma_start3A_32 = tpu.memref_slice %arg11[%dma_start3A, %dma_start3A_31] : memref<10240x128xf32, #tpu.memory_space<vmem_shared>> -> memref<520x128xf32, #tpu.memory_space<vmem_shared>>
          %dma_start3A_33 = arith.constant 9480 : i32
          %dma_start3A_34 = arith.constant 0 : i32
          %dma_start3A_35 = tpu.memref_slice %arg3[%dma_start3A_33, %dma_start3A_34] : memref<10000x128xf32, #tpu.memory_space<hbm>> -> memref<520x128xf32, #tpu.memory_space<hbm>>
          tpu.enqueue_dma source(%dma_start3A_35 : memref<520x128xf32, #tpu.memory_space<hbm>>) target(%dma_start3A_32 : memref<520x128xf32, #tpu.memory_space<vmem_shared>>) target_semaphore(%run_scoped3A : memref<!tpu.dma_semaphore, #tpu.memory_space<semaphore_mem>>)
          %dma_wait3A = arith.constant 9480 : i32
          %dma_wait3A_36 = arith.constant 0 : i32
          %dma_wait3A_37 = tpu.memref_slice %arg11[%dma_wait3A, %dma_wait3A_36] : memref<10240x128xf32, #tpu.memory_space<vmem_shared>> -> memref<520x128xf32, #tpu.memory_space<vmem_shared>>
          %dma_wait3A_38 = arith.constant 9480 : i32
          %dma_wait3A_39 = arith.constant 0 : i32
          %dma_wait3A_40 = tpu.memref_slice %arg3[%dma_wait3A_38, %dma_wait3A_39] : memref<10000x128xf32, #tpu.memory_space<hbm>> -> memref<520x128xf32, #tpu.memory_space<hbm>>
          tpu.wait_dma2 semaphore(%run_scoped3A : memref<!tpu.dma_semaphore, #tpu.memory_space<semaphore_mem>>) src(%dma_wait3A_40 : memref<520x128xf32, #tpu.memory_space<hbm>>) dst(%dma_wait3A_37 : memref<520x128xf32, #tpu.memory_space<vmem_shared>>)
          tpu.yield
        }) : () -> ()
      } else {
      }
    } else {
    }
    "tpu.region"() ({
      %run_scoped3A = tpu.sem_alloc : memref<!tpu.dma_semaphore, #tpu.memory_space<semaphore_mem>>
      %dma_start3A = arith.constant 0 : i32
      %dma_start3A_22 = arith.constant 0 : i32
      %dma_start3A_23 = tpu.memref_slice %arg4[%arg1, %dma_start3A, %dma_start3A_22] : memref<16x79x128xi32, #tpu.memory_space<hbm>> -> memref<1x79x128xi32, #tpu.memory_space<hbm>>
      %dma_start3A_24 = tpu.memref_squeeze %dma_start3A_23 : memref<1x79x128xi32, #tpu.memory_space<hbm>> -> memref<79x128xi32, #tpu.memory_space<hbm>>
      %dma_start3A_25 = arith.constant 0 : i32
      %dma_start3A_26 = arith.constant 0 : i32
      %dma_start3A_27 = tpu.memref_slice %arg4[%arg1, %dma_start3A_25, %dma_start3A_26] : memref<16x79x128xi32, #tpu.memory_space<hbm>> -> memref<1x79x128xi32, #tpu.memory_space<hbm>>
      %dma_start3A_28 = tpu.memref_squeeze %dma_start3A_27 : memref<1x79x128xi32, #tpu.memory_space<hbm>> -> memref<79x128xi32, #tpu.memory_space<hbm>>
      tpu.enqueue_dma source(%dma_start3A_28 : memref<79x128xi32, #tpu.memory_space<hbm>>) target(%arg8 : memref<79x128xi32, #tpu.memory_space<vmem>>) target_semaphore(%run_scoped3A : memref<!tpu.dma_semaphore, #tpu.memory_space<semaphore_mem>>)
      %dma_wait3A = arith.constant 0 : i32
      %dma_wait3A_29 = arith.constant 0 : i32
      %dma_wait3A_30 = tpu.memref_slice %arg4[%arg1, %dma_wait3A, %dma_wait3A_29] : memref<16x79x128xi32, #tpu.memory_space<hbm>> -> memref<1x79x128xi32, #tpu.memory_space<hbm>>
      %dma_wait3A_31 = tpu.memref_squeeze %dma_wait3A_30 : memref<1x79x128xi32, #tpu.memory_space<hbm>> -> memref<79x128xi32, #tpu.memory_space<hbm>>
      %dma_wait3A_32 = arith.constant 0 : i32
      %dma_wait3A_33 = arith.constant 0 : i32
      %dma_wait3A_34 = tpu.memref_slice %arg4[%arg1, %dma_wait3A_32, %dma_wait3A_33] : memref<16x79x128xi32, #tpu.memory_space<hbm>> -> memref<1x79x128xi32, #tpu.memory_space<hbm>>
      %dma_wait3A_35 = tpu.memref_squeeze %dma_wait3A_34 : memref<1x79x128xi32, #tpu.memory_space<hbm>> -> memref<79x128xi32, #tpu.memory_space<hbm>>
      tpu.wait_dma2 semaphore(%run_scoped3A : memref<!tpu.dma_semaphore, #tpu.memory_space<semaphore_mem>>) src(%dma_wait3A_35 : memref<79x128xi32, #tpu.memory_space<hbm>>) dst(%arg8 : memref<79x128xi32, #tpu.memory_space<vmem>>)
      tpu.yield
    }) : () -> ()
    "tpu.region"() ({
      %run_scoped3A = tpu.sem_alloc : memref<!tpu.dma_semaphore, #tpu.memory_space<semaphore_mem>>
      %dma_start3A = arith.constant 0 : i32
      %dma_start3A_22 = arith.constant 0 : i32
      %dma_start3A_23 = tpu.memref_slice %arg5[%arg1, %dma_start3A, %dma_start3A_22] : memref<16x79x128xi32, #tpu.memory_space<hbm>> -> memref<1x79x128xi32, #tpu.memory_space<hbm>>
      %dma_start3A_24 = tpu.memref_squeeze %dma_start3A_23 : memref<1x79x128xi32, #tpu.memory_space<hbm>> -> memref<79x128xi32, #tpu.memory_space<hbm>>
      %dma_start3A_25 = arith.constant 0 : i32
      %dma_start3A_26 = arith.constant 0 : i32
      %dma_start3A_27 = tpu.memref_slice %arg5[%arg1, %dma_start3A_25, %dma_start3A_26] : memref<16x79x128xi32, #tpu.memory_space<hbm>> -> memref<1x79x128xi32, #tpu.memory_space<hbm>>
      %dma_start3A_28 = tpu.memref_squeeze %dma_start3A_27 : memref<1x79x128xi32, #tpu.memory_space<hbm>> -> memref<79x128xi32, #tpu.memory_space<hbm>>
      tpu.enqueue_dma source(%dma_start3A_28 : memref<79x128xi32, #tpu.memory_space<hbm>>) target(%arg9 : memref<79x128xi32, #tpu.memory_space<vmem>>) target_semaphore(%run_scoped3A : memref<!tpu.dma_semaphore, #tpu.memory_space<semaphore_mem>>)
      %dma_wait3A = arith.constant 0 : i32
      %dma_wait3A_29 = arith.constant 0 : i32
      %dma_wait3A_30 = tpu.memref_slice %arg5[%arg1, %dma_wait3A, %dma_wait3A_29] : memref<16x79x128xi32, #tpu.memory_space<hbm>> -> memref<1x79x128xi32, #tpu.memory_space<hbm>>
      %dma_wait3A_31 = tpu.memref_squeeze %dma_wait3A_30 : memref<1x79x128xi32, #tpu.memory_space<hbm>> -> memref<79x128xi32, #tpu.memory_space<hbm>>
      %dma_wait3A_32 = arith.constant 0 : i32
      %dma_wait3A_33 = arith.constant 0 : i32
      %dma_wait3A_34 = tpu.memref_slice %arg5[%arg1, %dma_wait3A_32, %dma_wait3A_33] : memref<16x79x128xi32, #tpu.memory_space<hbm>> -> memref<1x79x128xi32, #tpu.memory_space<hbm>>
      %dma_wait3A_35 = tpu.memref_squeeze %dma_wait3A_34 : memref<1x79x128xi32, #tpu.memory_space<hbm>> -> memref<79x128xi32, #tpu.memory_space<hbm>>
      tpu.wait_dma2 semaphore(%run_scoped3A : memref<!tpu.dma_semaphore, #tpu.memory_space<semaphore_mem>>) src(%dma_wait3A_35 : memref<79x128xi32, #tpu.memory_space<hbm>>) dst(%arg9 : memref<79x128xi32, #tpu.memory_space<vmem>>)
      tpu.yield
    }) : () -> ()
    %barrier3A = arith.constant 0 : index
    tpu.barrier barrier_id(%barrier3A)
    %scan3A = arith.constant 0 : i32
    %scan3A_7 = arith.constant 79 : i32
    %scan3A_8 = arith.addi %scan3A, %scan3A_7 : i32
    %scan3A_9 = arith.constant 1 : i32
    scf.for %scan3A_22 = %scan3A to %scan3A_8 step %scan3A_9  : i32 {
      %mul3A = arith.constant 1 : i32
      %mul3A_23 = arith.muli %scan3A_22, %mul3A : i32
      %add3A = arith.constant 0 : i32
      %add3A_24 = arith.addi %add3A, %mul3A_23 : i32
      %eq3A_25 = arith.constant 0 : i32
      %eq3A_26 = arith.cmpi eq, %arg0, %eq3A_25 : i32
      %convert_element_type3A_27 = arith.extui %eq3A_26 : i1 to i32
      %cond3A_28 = arith.constant 0 : i32
      %cond3A_29 = arith.cmpi ne, %convert_element_type3A_27, %cond3A_28 : i32
      scf.if %cond3A_29 {
        "tpu.region"() ({
          %run_scoped3A = tpu.sem_alloc : memref<!tpu.dma_semaphore, #tpu.memory_space<semaphore_mem>>
          %dma_start3A = arith.constant 0 : i32
          %dma_start3A_35 = tpu.memref_slice %arg9[%add3A_24, %dma_start3A] : memref<79x128xi32, #tpu.memory_space<vmem>> -> memref<1x128xi32, #tpu.memory_space<vmem>>
          %dma_start3A_36 = tpu.memref_squeeze %dma_start3A_35 : memref<1x128xi32, #tpu.memory_space<vmem>> -> memref<128xi32, #tpu.memory_space<vmem>>
          %dma_start3A_37 = arith.constant 0 : i32
          %dma_start3A_38 = arith.constant 0 : i32
          %dma_start3A_39 = tpu.memref_slice %arg2[%dma_start3A_37, %dma_start3A_38] : memref<10000x128xf32, #tpu.memory_space<hbm>> -> memref<10000x128xf32, #tpu.memory_space<hbm>>
          tpu.enqueue_indirect_dma source(%dma_start3A_39 : memref<10000x128xf32, #tpu.memory_space<hbm>>) target(%arg10 : memref<128x128xf32, #tpu.memory_space<vmem>>) offsets(%dma_start3A_36 : memref<128xi32, #tpu.memory_space<vmem>>) semaphore(%run_scoped3A : memref<!tpu.dma_semaphore, #tpu.memory_space<semaphore_mem>>)
          %dma_wait3A = arith.constant 0 : i32
          %dma_wait3A_40 = tpu.memref_slice %arg9[%add3A_24, %dma_wait3A] : memref<79x128xi32, #tpu.memory_space<vmem>> -> memref<1x128xi32, #tpu.memory_space<vmem>>
          %dma_wait3A_41 = tpu.memref_squeeze %dma_wait3A_40 : memref<1x128xi32, #tpu.memory_space<vmem>> -> memref<128xi32, #tpu.memory_space<vmem>>
          %dma_wait3A_42 = arith.constant 0 : i32
          %dma_wait3A_43 = arith.constant 0 : i32
          %dma_wait3A_44 = tpu.memref_slice %arg2[%dma_wait3A_42, %dma_wait3A_43] : memref<10000x128xf32, #tpu.memory_space<hbm>> -> memref<10000x128xf32, #tpu.memory_space<hbm>>
          tpu.wait_indirect_dma semaphore(%run_scoped3A : memref<!tpu.dma_semaphore, #tpu.memory_space<semaphore_mem>>) src(%dma_wait3A_44 : memref<10000x128xf32, #tpu.memory_space<hbm>>) dst(%arg10 : memref<128x128xf32, #tpu.memory_space<vmem>>)
          tpu.yield
        }) : () -> ()
      } else {
      }
      %eq3A_30 = arith.constant 1 : i32
      %eq3A_31 = arith.cmpi eq, %arg0, %eq3A_30 : i32
      %convert_element_type3A_32 = arith.extui %eq3A_31 : i1 to i32
      %cond3A_33 = arith.constant 0 : i32
      %cond3A_34 = arith.cmpi ne, %convert_element_type3A_32, %cond3A_33 : i32
      scf.if %cond3A_34 {
        "tpu.region"() ({
          %run_scoped3A = tpu.sem_alloc : memref<!tpu.dma_semaphore, #tpu.memory_space<semaphore_mem>>
          %dma_start3A = arith.constant 0 : i32
          %dma_start3A_35 = tpu.memref_slice %arg9[%add3A_24, %dma_start3A] : memref<79x128xi32, #tpu.memory_space<vmem>> -> memref<1x128xi32, #tpu.memory_space<vmem>>
          %dma_start3A_36 = tpu.memref_squeeze %dma_start3A_35 : memref<1x128xi32, #tpu.memory_space<vmem>> -> memref<128xi32, #tpu.memory_space<vmem>>
          %dma_start3A_37 = arith.constant 0 : i32
          %dma_start3A_38 = arith.constant 0 : i32
          %dma_start3A_39 = tpu.memref_slice %arg3[%dma_start3A_37, %dma_start3A_38] : memref<10000x128xf32, #tpu.memory_space<hbm>> -> memref<10000x128xf32, #tpu.memory_space<hbm>>
          tpu.enqueue_indirect_dma source(%dma_start3A_39 : memref<10000x128xf32, #tpu.memory_space<hbm>>) target(%arg10 : memref<128x128xf32, #tpu.memory_space<vmem>>) offsets(%dma_start3A_36 : memref<128xi32, #tpu.memory_space<vmem>>) semaphore(%run_scoped3A : memref<!tpu.dma_semaphore, #tpu.memory_space<semaphore_mem>>)
          %dma_wait3A = arith.constant 0 : i32
          %dma_wait3A_40 = tpu.memref_slice %arg9[%add3A_24, %dma_wait3A] : memref<79x128xi32, #tpu.memory_space<vmem>> -> memref<1x128xi32, #tpu.memory_space<vmem>>
          %dma_wait3A_41 = tpu.memref_squeeze %dma_wait3A_40 : memref<1x128xi32, #tpu.memory_space<vmem>> -> memref<128xi32, #tpu.memory_space<vmem>>
          %dma_wait3A_42 = arith.constant 0 : i32
          %dma_wait3A_43 = arith.constant 0 : i32
          %dma_wait3A_44 = tpu.memref_slice %arg3[%dma_wait3A_42, %dma_wait3A_43] : memref<10000x128xf32, #tpu.memory_space<hbm>> -> memref<10000x128xf32, #tpu.memory_space<hbm>>
          tpu.wait_indirect_dma semaphore(%run_scoped3A : memref<!tpu.dma_semaphore, #tpu.memory_space<semaphore_mem>>) src(%dma_wait3A_44 : memref<10000x128xf32, #tpu.memory_space<hbm>>) dst(%arg10 : memref<128x128xf32, #tpu.memory_space<vmem>>)
          tpu.yield
        }) : () -> ()
      } else {
      }
      "tpu.region"() ({
        %run_scoped3A = tpu.sem_alloc : memref<!tpu.dma_semaphore, #tpu.memory_space<semaphore_mem>>
        %dma_start3A = arith.constant 0 : i32
        %dma_start3A_35 = tpu.memref_slice %arg8[%add3A_24, %dma_start3A] : memref<79x128xi32, #tpu.memory_space<vmem>> -> memref<1x128xi32, #tpu.memory_space<vmem>>
        %dma_start3A_36 = tpu.memref_squeeze %dma_start3A_35 : memref<1x128xi32, #tpu.memory_space<vmem>> -> memref<128xi32, #tpu.memory_space<vmem>>
        %dma_start3A_37 = arith.constant 0 : i32
        %dma_start3A_38 = arith.constant 0 : i32
        %dma_start3A_39 = tpu.memref_slice %arg11[%dma_start3A_37, %dma_start3A_38] : memref<10240x128xf32, #tpu.memory_space<vmem_shared>> -> memref<10240x128xf32, #tpu.memory_space<vmem_shared>>
        tpu.enqueue_indirect_dma source(%arg10 : memref<128x128xf32, #tpu.memory_space<vmem>>) target(%dma_start3A_39 : memref<10240x128xf32, #tpu.memory_space<vmem_shared>>) offsets(%dma_start3A_36 : memref<128xi32, #tpu.memory_space<vmem>>) semaphore(%run_scoped3A : memref<!tpu.dma_semaphore, #tpu.memory_space<semaphore_mem>>) {add = true}
        %dma_wait3A = arith.constant 0 : i32
        %dma_wait3A_40 = tpu.memref_slice %arg8[%add3A_24, %dma_wait3A] : memref<79x128xi32, #tpu.memory_space<vmem>> -> memref<1x128xi32, #tpu.memory_space<vmem>>
        %dma_wait3A_41 = tpu.memref_squeeze %dma_wait3A_40 : memref<1x128xi32, #tpu.memory_space<vmem>> -> memref<128xi32, #tpu.memory_space<vmem>>
        %dma_wait3A_42 = arith.constant 0 : i32
        %dma_wait3A_43 = arith.constant 0 : i32
        %dma_wait3A_44 = tpu.memref_slice %arg11[%dma_wait3A_42, %dma_wait3A_43] : memref<10240x128xf32, #tpu.memory_space<vmem_shared>> -> memref<10240x128xf32, #tpu.memory_space<vmem_shared>>
        tpu.wait_indirect_dma semaphore(%run_scoped3A : memref<!tpu.dma_semaphore, #tpu.memory_space<semaphore_mem>>) src(%arg10 : memref<128x128xf32, #tpu.memory_space<vmem>>) dst(%dma_wait3A_44 : memref<10240x128xf32, #tpu.memory_space<vmem_shared>>)
        tpu.yield
      }) : () -> ()
    }
    %scan3A_10 = arith.constant 79 : i32
    %barrier3A_11 = arith.constant 0 : index
    tpu.barrier barrier_id(%barrier3A_11)
    %eq3A_12 = arith.constant 0 : i32
    %eq3A_13 = arith.cmpi eq, %arg0, %eq3A_12 : i32
    %convert_element_type3A_14 = arith.extui %eq3A_13 : i1 to i32
    %cond3A_15 = arith.constant 0 : i32
    %cond3A_16 = arith.cmpi ne, %convert_element_type3A_14, %cond3A_15 : i32
    scf.if %cond3A_16 {
      %lt3A = arith.constant 15 : i32
      %lt3A_22 = arith.cmpi slt, %arg1, %lt3A : i32
      %convert_element_type3A_23 = arith.extui %lt3A_22 : i1 to i32
      %cond3A_24 = arith.constant 0 : i32
      %cond3A_25 = arith.cmpi ne, %convert_element_type3A_23, %cond3A_24 : i32
      scf.if %cond3A_25 {
        %mul3A = arith.constant 632 : i32
        %mul3A_31 = arith.muli %arg1, %mul3A : i32
        %mul3A_32 = arith.constant 632 : i32
        %mul3A_33 = arith.muli %arg1, %mul3A_32 : i32
        "tpu.region"() ({
          %run_scoped3A = tpu.sem_alloc : memref<!tpu.dma_semaphore, #tpu.memory_space<semaphore_mem>>
          %dma_start3A = arith.constant 0 : i32
          %dma_start3A_34 = tpu.memref_slice %arg6[%mul3A_33, %dma_start3A] : memref<10000x128xf32, #tpu.memory_space<hbm>> -> memref<632x128xf32, #tpu.memory_space<hbm>>
          %dma_start3A_35 = arith.constant 0 : i32
          %dma_start3A_36 = tpu.memref_slice %arg11[%mul3A_31, %dma_start3A_35] : memref<10240x128xf32, #tpu.memory_space<vmem_shared>> -> memref<632x128xf32, #tpu.memory_space<vmem_shared>>
          tpu.enqueue_dma source(%dma_start3A_36 : memref<632x128xf32, #tpu.memory_space<vmem_shared>>) target(%dma_start3A_34 : memref<632x128xf32, #tpu.memory_space<hbm>>) target_semaphore(%run_scoped3A : memref<!tpu.dma_semaphore, #tpu.memory_space<semaphore_mem>>)
          %dma_wait3A = arith.constant 0 : i32
          %dma_wait3A_37 = tpu.memref_slice %arg6[%mul3A_33, %dma_wait3A] : memref<10000x128xf32, #tpu.memory_space<hbm>> -> memref<632x128xf32, #tpu.memory_space<hbm>>
          %dma_wait3A_38 = arith.constant 0 : i32
          %dma_wait3A_39 = tpu.memref_slice %arg11[%mul3A_31, %dma_wait3A_38] : memref<10240x128xf32, #tpu.memory_space<vmem_shared>> -> memref<632x128xf32, #tpu.memory_space<vmem_shared>>
          tpu.wait_dma2 semaphore(%run_scoped3A : memref<!tpu.dma_semaphore, #tpu.memory_space<semaphore_mem>>) src(%dma_wait3A_39 : memref<632x128xf32, #tpu.memory_space<vmem_shared>>) dst(%dma_wait3A_37 : memref<632x128xf32, #tpu.memory_space<hbm>>)
          tpu.yield
        }) : () -> ()
      } else {
      }
      %eq3A_26 = arith.constant 15 : i32
      %eq3A_27 = arith.cmpi eq, %arg1, %eq3A_26 : i32
      %convert_element_type3A_28 = arith.extui %eq3A_27 : i1 to i32
      %cond3A_29 = arith.constant 0 : i32
      %cond3A_30 = arith.cmpi ne, %convert_element_type3A_28, %cond3A_29 : i32
      scf.if %cond3A_30 {
        "tpu.region"() ({
          %run_scoped3A = tpu.sem_alloc : memref<!tpu.dma_semaphore, #tpu.memory_space<semaphore_mem>>
          %dma_start3A = arith.constant 9480 : i32
          %dma_start3A_31 = arith.constant 0 : i32
          %dma_start3A_32 = tpu.memref_slice %arg6[%dma_start3A, %dma_start3A_31] : memref<10000x128xf32, #tpu.memory_space<hbm>> -> memref<520x128xf32, #tpu.memory_space<hbm>>
          %dma_start3A_33 = arith.constant 9480 : i32
          %dma_start3A_34 = arith.constant 0 : i32
          %dma_start3A_35 = tpu.memref_slice %arg11[%dma_start3A_33, %dma_start3A_34] : memref<10240x128xf32, #tpu.memory_space<vmem_shared>> -> memref<520x128xf32, #tpu.memory_space<vmem_shared>>
          tpu.enqueue_dma source(%dma_start3A_35 : memref<520x128xf32, #tpu.memory_space<vmem_shared>>) target(%dma_start3A_32 : memref<520x128xf32, #tpu.memory_space<hbm>>) target_semaphore(%run_scoped3A : memref<!tpu.dma_semaphore, #tpu.memory_space<semaphore_mem>>)
          %dma_wait3A = arith.constant 9480 : i32
          %dma_wait3A_36 = arith.constant 0 : i32
          %dma_wait3A_37 = tpu.memref_slice %arg6[%dma_wait3A, %dma_wait3A_36] : memref<10000x128xf32, #tpu.memory_space<hbm>> -> memref<520x128xf32, #tpu.memory_space<hbm>>
          %dma_wait3A_38 = arith.constant 9480 : i32
          %dma_wait3A_39 = arith.constant 0 : i32
          %dma_wait3A_40 = tpu.memref_slice %arg11[%dma_wait3A_38, %dma_wait3A_39] : memref<10240x128xf32, #tpu.memory_space<vmem_shared>> -> memref<520x128xf32, #tpu.memory_space<vmem_shared>>
          tpu.wait_dma2 semaphore(%run_scoped3A : memref<!tpu.dma_semaphore, #tpu.memory_space<semaphore_mem>>) src(%dma_wait3A_40 : memref<520x128xf32, #tpu.memory_space<vmem_shared>>) dst(%dma_wait3A_37 : memref<520x128xf32, #tpu.memory_space<hbm>>)
          tpu.yield
        }) : () -> ()
      } else {
      }
    } else {
    }
    %eq3A_17 = arith.constant 1 : i32
    %eq3A_18 = arith.cmpi eq, %arg0, %eq3A_17 : i32
    %convert_element_type3A_19 = arith.extui %eq3A_18 : i1 to i32
    %cond3A_20 = arith.constant 0 : i32
    %cond3A_21 = arith.cmpi ne, %convert_element_type3A_19, %cond3A_20 : i32
    scf.if %cond3A_21 {
      %lt3A = arith.constant 15 : i32
      %lt3A_22 = arith.cmpi slt, %arg1, %lt3A : i32
      %convert_element_type3A_23 = arith.extui %lt3A_22 : i1 to i32
      %cond3A_24 = arith.constant 0 : i32
      %cond3A_25 = arith.cmpi ne, %convert_element_type3A_23, %cond3A_24 : i32
      scf.if %cond3A_25 {
        %mul3A = arith.constant 632 : i32
        %mul3A_31 = arith.muli %arg1, %mul3A : i32
        %mul3A_32 = arith.constant 632 : i32
        %mul3A_33 = arith.muli %arg1, %mul3A_32 : i32
        "tpu.region"() ({
          %run_scoped3A = tpu.sem_alloc : memref<!tpu.dma_semaphore, #tpu.memory_space<semaphore_mem>>
          %dma_start3A = arith.constant 0 : i32
          %dma_start3A_34 = tpu.memref_slice %arg7[%mul3A_33, %dma_start3A] : memref<10000x128xf32, #tpu.memory_space<hbm>> -> memref<632x128xf32, #tpu.memory_space<hbm>>
          %dma_start3A_35 = arith.constant 0 : i32
          %dma_start3A_36 = tpu.memref_slice %arg11[%mul3A_31, %dma_start3A_35] : memref<10240x128xf32, #tpu.memory_space<vmem_shared>> -> memref<632x128xf32, #tpu.memory_space<vmem_shared>>
          tpu.enqueue_dma source(%dma_start3A_36 : memref<632x128xf32, #tpu.memory_space<vmem_shared>>) target(%dma_start3A_34 : memref<632x128xf32, #tpu.memory_space<hbm>>) target_semaphore(%run_scoped3A : memref<!tpu.dma_semaphore, #tpu.memory_space<semaphore_mem>>)
          %dma_wait3A = arith.constant 0 : i32
          %dma_wait3A_37 = tpu.memref_slice %arg7[%mul3A_33, %dma_wait3A] : memref<10000x128xf32, #tpu.memory_space<hbm>> -> memref<632x128xf32, #tpu.memory_space<hbm>>
          %dma_wait3A_38 = arith.constant 0 : i32
          %dma_wait3A_39 = tpu.memref_slice %arg11[%mul3A_31, %dma_wait3A_38] : memref<10240x128xf32, #tpu.memory_space<vmem_shared>> -> memref<632x128xf32, #tpu.memory_space<vmem_shared>>
          tpu.wait_dma2 semaphore(%run_scoped3A : memref<!tpu.dma_semaphore, #tpu.memory_space<semaphore_mem>>) src(%dma_wait3A_39 : memref<632x128xf32, #tpu.memory_space<vmem_shared>>) dst(%dma_wait3A_37 : memref<632x128xf32, #tpu.memory_space<hbm>>)
          tpu.yield
        }) : () -> ()
      } else {
      }
      %eq3A_26 = arith.constant 15 : i32
      %eq3A_27 = arith.cmpi eq, %arg1, %eq3A_26 : i32
      %convert_element_type3A_28 = arith.extui %eq3A_27 : i1 to i32
      %cond3A_29 = arith.constant 0 : i32
      %cond3A_30 = arith.cmpi ne, %convert_element_type3A_28, %cond3A_29 : i32
      scf.if %cond3A_30 {
        "tpu.region"() ({
          %run_scoped3A = tpu.sem_alloc : memref<!tpu.dma_semaphore, #tpu.memory_space<semaphore_mem>>
          %dma_start3A = arith.constant 9480 : i32
          %dma_start3A_31 = arith.constant 0 : i32
          %dma_start3A_32 = tpu.memref_slice %arg7[%dma_start3A, %dma_start3A_31] : memref<10000x128xf32, #tpu.memory_space<hbm>> -> memref<520x128xf32, #tpu.memory_space<hbm>>
          %dma_start3A_33 = arith.constant 9480 : i32
          %dma_start3A_34 = arith.constant 0 : i32
          %dma_start3A_35 = tpu.memref_slice %arg11[%dma_start3A_33, %dma_start3A_34] : memref<10240x128xf32, #tpu.memory_space<vmem_shared>> -> memref<520x128xf32, #tpu.memory_space<vmem_shared>>
          tpu.enqueue_dma source(%dma_start3A_35 : memref<520x128xf32, #tpu.memory_space<vmem_shared>>) target(%dma_start3A_32 : memref<520x128xf32, #tpu.memory_space<hbm>>) target_semaphore(%run_scoped3A : memref<!tpu.dma_semaphore, #tpu.memory_space<semaphore_mem>>)
          %dma_wait3A = arith.constant 9480 : i32
          %dma_wait3A_36 = arith.constant 0 : i32
          %dma_wait3A_37 = tpu.memref_slice %arg7[%dma_wait3A, %dma_wait3A_36] : memref<10000x128xf32, #tpu.memory_space<hbm>> -> memref<520x128xf32, #tpu.memory_space<hbm>>
          %dma_wait3A_38 = arith.constant 9480 : i32
          %dma_wait3A_39 = arith.constant 0 : i32
          %dma_wait3A_40 = tpu.memref_slice %arg11[%dma_wait3A_38, %dma_wait3A_39] : memref<10240x128xf32, #tpu.memory_space<vmem_shared>> -> memref<520x128xf32, #tpu.memory_space<vmem_shared>>
          tpu.wait_dma2 semaphore(%run_scoped3A : memref<!tpu.dma_semaphore, #tpu.memory_space<semaphore_mem>>) src(%dma_wait3A_40 : memref<520x128xf32, #tpu.memory_space<vmem_shared>>) dst(%dma_wait3A_37 : memref<520x128xf32, #tpu.memory_space<hbm>>)
          tpu.yield
        }) : () -> ()
      } else {
      }
    } else {
    }
    return
  }
}

module attributes {stable_mosaic.version = 14 : i64} {
  func.func @body(%arg0: i32, %arg1: memref<1000x128xf32, #tpu.memory_space<vmem>>, %arg2: memref<1000x128xf32, #tpu.memory_space<vmem>>, %arg3: memref<1000x1xf32, #tpu.memory_space<vmem>>, %arg4: memref<1000x1xf32, #tpu.memory_space<vmem>>, %arg5: memref<1000x256xf32, #tpu.memory_space<vmem>>) attributes {dimension_semantics = [#tpu.dimension_semantics<arbitrary>], iteration_bounds = array<i64: 10>, scalar_prefetch = 0 : i64, scratch_operands = 0 : i64, tpu.core_type = #tpu.core_type<tc>, window_params = [{transform_indices = @transform_0, window_bounds = array<i64: 1000, 128>}, {transform_indices = @transform_1, window_bounds = array<i64: 1000, 128>}, {transform_indices = @transform_2, window_bounds = array<i64: 1000, 1>}, {transform_indices = @transform_3, window_bounds = array<i64: 1000, 1>}, {transform_indices = @transform_4, window_bounds = array<i64: 1000, 256>}]} {
    %get3A = arith.constant 0 : index
    %get3A_0 = arith.constant 0 : index
    %get3A_1 = vector.load %arg3[%get3A, %get3A_0] : memref<1000x1xf32, #tpu.memory_space<vmem>>, vector<1000x1xf32>
    %get3A_2 = arith.constant 0 : index
    %get3A_3 = arith.constant 0 : index
    %get3A_4 = vector.load %arg4[%get3A_2, %get3A_3] : memref<1000x1xf32, #tpu.memory_space<vmem>>, vector<1000x1xf32>
    %add3A = arith.addf %get3A_1, %get3A_4 : vector<1000x1xf32>
    %add3A_5 = arith.constant 1.000000e+00 : f32
    %add3A_6 = vector.broadcast %add3A_5 : f32 to vector<1000x1xf32>
    %add3A_7 = arith.addf %add3A, %add3A_6 : vector<1000x1xf32>
    %rsqrt3A = math.rsqrt %add3A_7 : vector<1000x1xf32>
    %get3A_8 = arith.constant 0 : index
    %get3A_9 = arith.constant 0 : index
    %get3A_10 = vector.load %arg1[%get3A_8, %get3A_9] : memref<1000x128xf32, #tpu.memory_space<vmem>>, vector<1000x128xf32>
    %mul3A = vector.broadcast %rsqrt3A : vector<1000x1xf32> to vector<1000x128xf32>
    %mul3A_11 = arith.mulf %get3A_10, %mul3A : vector<1000x128xf32>
    %get3A_12 = arith.constant 0 : index
    %get3A_13 = arith.constant 0 : index
    %get3A_14 = vector.load %arg2[%get3A_12, %get3A_13] : memref<1000x128xf32, #tpu.memory_space<vmem>>, vector<1000x128xf32>
    %mul3A_15 = vector.broadcast %rsqrt3A : vector<1000x1xf32> to vector<1000x128xf32>
    %mul3A_16 = arith.mulf %get3A_14, %mul3A_15 : vector<1000x128xf32>
    %concatenate3A = tpu.concatenate %mul3A_11, %mul3A_16 in 1 : vector<1000x128xf32>, vector<1000x128xf32> -> vector<1000x256xf32>
    %swap3A = arith.constant 0 : index
    %swap3A_17 = arith.constant 0 : index
    %swap3A_18 = vector.load %arg5[%swap3A, %swap3A_17] : memref<1000x256xf32, #tpu.memory_space<vmem>>, vector<1000x256xf32>
    tpu.vector_store %arg5[%swap3A, %swap3A_17], %concatenate3A {strides = array<i32>} : memref<1000x256xf32, #tpu.memory_space<vmem>>, vector<1000x256xf32>,
    return
  }
  func.func @transform_0(%arg0: i32) -> (i32, i32) {
    %c0_i32 = arith.constant 0 : i32
    %c0_i32_0 = arith.constant 0 : i32
    return %arg0, %c0_i32 : i32, i32
  }
  func.func @transform_1(%arg0: i32) -> (i32, i32) {
    %c0_i32 = arith.constant 0 : i32
    %c0_i32_0 = arith.constant 0 : i32
    return %arg0, %c0_i32 : i32, i32
  }
  func.func @transform_2(%arg0: i32) -> (i32, i32) {
    %c0_i32 = arith.constant 0 : i32
    %c0_i32_0 = arith.constant 0 : i32
    return %arg0, %c0_i32 : i32, i32
  }
  func.func @transform_3(%arg0: i32) -> (i32, i32) {
    %c0_i32 = arith.constant 0 : i32
    %c0_i32_0 = arith.constant 0 : i32
    return %arg0, %c0_i32 : i32, i32
  }
  func.func @transform_4(%arg0: i32) -> (i32, i32) {
    %c0_i32 = arith.constant 0 : i32
    %c0_i32_0 = arith.constant 0 : i32
    return %arg0, %c0_i32 : i32, i32
  }
}

module attributes {stable_mosaic.version = 14 : i64} {
  func.func @body(%arg0: i32, %arg1: memref<1000x256xf32, #tpu.memory_space<vmem>>, %arg2: memref<256x256xf32, #tpu.memory_space<vmem>>, %arg3: memref<1x256xf32, #tpu.memory_space<vmem>>, %arg4: memref<1000x1xf32, #tpu.memory_space<vmem>>, %arg5: memref<1000x1xf32, #tpu.memory_space<vmem>>, %arg6: memref<1000x128xf32, #tpu.memory_space<vmem>>, %arg7: memref<1000x128xf32, #tpu.memory_space<vmem>>) attributes {dimension_semantics = [#tpu.dimension_semantics<arbitrary>], iteration_bounds = array<i64: 10>, scalar_prefetch = 0 : i64, scratch_operands = 0 : i64, tpu.core_type = #tpu.core_type<tc>, window_params = [{transform_indices = @transform_0, window_bounds = array<i64: 1000, 256>}, {pipeline_mode = #tpu.pipeline_mode<synchronous>, transform_indices = @transform_1, window_bounds = array<i64: 256, 256>}, {pipeline_mode = #tpu.pipeline_mode<synchronous>, transform_indices = @transform_2, window_bounds = array<i64: 1, 256>}, {transform_indices = @transform_3, window_bounds = array<i64: 1000, 1>}, {transform_indices = @transform_4, window_bounds = array<i64: 1000, 1>}, {transform_indices = @transform_5, window_bounds = array<i64: 1000, 128>}, {transform_indices = @transform_6, window_bounds = array<i64: 1000, 128>}]} {
    %get3A = arith.constant 0 : index
    %get3A_0 = arith.constant 0 : index
    %get3A_1 = vector.load %arg1[%get3A, %get3A_0] : memref<1000x256xf32, #tpu.memory_space<vmem>>, vector<1000x256xf32>
    %get3A_2 = arith.constant 0 : index
    %get3A_3 = arith.constant 0 : index
    %get3A_4 = vector.load %arg2[%get3A_2, %get3A_3] : memref<256x256xf32, #tpu.memory_space<vmem>>, vector<256x256xf32>
    %dot_general3A = arith.constant dense<0.000000e+00> : vector<1000x256xf32>
    %dot_general3A_5 = tpu.matmul %get3A_1, %get3A_4, %dot_general3A {dimension_numbers = #tpu.dot_dimension_numbers<[1], [1], [0], [0], [0, 0, 1, 0], [], []>, transpose_lhs_hint = false} : vector<1000x256xf32>, vector<256x256xf32>, vector<1000x256xf32> -> vector<1000x256xf32>
    %get3A_6 = arith.constant 0 : index
    %get3A_7 = arith.constant 0 : index
    %get3A_8 = vector.load %arg3[%get3A_6, %get3A_7] : memref<1x256xf32, #tpu.memory_space<vmem>>, vector<1x256xf32>
    %add3A = vector.broadcast %get3A_8 : vector<1x256xf32> to vector<1000x256xf32>
    %add3A_9 = arith.addf %dot_general3A_5, %add3A : vector<1000x256xf32>
    %get3A_10 = arith.constant 0 : index
    %get3A_11 = arith.constant 0 : index
    %get3A_12 = vector.load %arg4[%get3A_10, %get3A_11] : memref<1000x1xf32, #tpu.memory_space<vmem>>, vector<1000x1xf32>
    %get3A_13 = arith.constant 0 : index
    %get3A_14 = arith.constant 0 : index
    %get3A_15 = vector.load %arg5[%get3A_13, %get3A_14] : memref<1000x1xf32, #tpu.memory_space<vmem>>, vector<1000x1xf32>
    %add3A_16 = arith.addf %get3A_12, %get3A_15 : vector<1000x1xf32>
    %add3A_17 = arith.constant 1.000000e+00 : f32
    %add3A_18 = vector.broadcast %add3A_17 : f32 to vector<1000x1xf32>
    %add3A_19 = arith.addf %add3A_16, %add3A_18 : vector<1000x1xf32>
    %rsqrt3A = math.rsqrt %add3A_19 : vector<1000x1xf32>
    %mul3A = vector.broadcast %rsqrt3A : vector<1000x1xf32> to vector<1000x256xf32>
    %mul3A_20 = arith.mulf %add3A_9, %mul3A : vector<1000x256xf32>
    %slice3A = vector.extract_strided_slice %mul3A_20 {offsets = [0, 0], sizes = [1000, 128], strides = [1, 1]} : vector<1000x256xf32> to vector<1000x128xf32>
    %swap3A = arith.constant 0 : index
    %swap3A_21 = arith.constant 0 : index
    %swap3A_22 = vector.load %arg6[%swap3A, %swap3A_21] : memref<1000x128xf32, #tpu.memory_space<vmem>>, vector<1000x128xf32>
    tpu.vector_store %arg6[%swap3A, %swap3A_21], %slice3A {strides = array<i32>} : memref<1000x128xf32, #tpu.memory_space<vmem>>, vector<1000x128xf32>,
    %slice3A_23 = vector.extract_strided_slice %mul3A_20 {offsets = [0, 128], sizes = [1000, 128], strides = [1, 1]} : vector<1000x256xf32> to vector<1000x128xf32>
    %swap3A_24 = arith.constant 0 : index
    %swap3A_25 = arith.constant 0 : index
    %swap3A_26 = vector.load %arg7[%swap3A_24, %swap3A_25] : memref<1000x128xf32, #tpu.memory_space<vmem>>, vector<1000x128xf32>
    tpu.vector_store %arg7[%swap3A_24, %swap3A_25], %slice3A_23 {strides = array<i32>} : memref<1000x128xf32, #tpu.memory_space<vmem>>, vector<1000x128xf32>,
    return
  }
  func.func @transform_0(%arg0: i32) -> (i32, i32) {
    %c0_i32 = arith.constant 0 : i32
    %c0_i32_0 = arith.constant 0 : i32
    return %arg0, %c0_i32 : i32, i32
  }
  func.func @transform_1(%arg0: i32) -> (i32, i32) {
    %c0_i32 = arith.constant 0 : i32
    %c0_i32_0 = arith.constant 0 : i32
    %c0_i32_1 = arith.constant 0 : i32
    return %c0_i32, %c0_i32_0 : i32, i32
  }
  func.func @transform_2(%arg0: i32) -> (i32, i32) {
    %c0_i32 = arith.constant 0 : i32
    %c0_i32_0 = arith.constant 0 : i32
    %c0_i32_1 = arith.constant 0 : i32
    return %c0_i32, %c0_i32_0 : i32, i32
  }
  func.func @transform_3(%arg0: i32) -> (i32, i32) {
    %c0_i32 = arith.constant 0 : i32
    %c0_i32_0 = arith.constant 0 : i32
    return %arg0, %c0_i32 : i32, i32
  }
  func.func @transform_4(%arg0: i32) -> (i32, i32) {
    %c0_i32 = arith.constant 0 : i32
    %c0_i32_0 = arith.constant 0 : i32
    return %arg0, %c0_i32 : i32, i32
  }
  func.func @transform_5(%arg0: i32) -> (i32, i32) {
    %c0_i32 = arith.constant 0 : i32
    %c0_i32_0 = arith.constant 0 : i32
    return %arg0, %c0_i32 : i32, i32
  }
  func.func @transform_6(%arg0: i32) -> (i32, i32) {
    %c0_i32 = arith.constant 0 : i32
    %c0_i32_0 = arith.constant 0 : i32
    return %arg0, %c0_i32 : i32, i32
  }
}

</mosaic_0001>

<sc_bundles>
// kernel: kernel.6.cloned.1.call-start
scs
__scs_entry_jumppad:
0x0: {  	(pc) =	sbr.rel $0x88, $3  }
0x1: {  	(tag) =	ssettag $0x0;
	lr =	simm.s32 $0x1  }
0x2: {  	[smem:$0x3F9D] =	sst lr;
	_ =	strace $0xD0000000  }
0x3: {  	_ = 	snop  }
0x4: {  	_ = 	snop  }
0x5: {  	_ = 	snop  }
0x6: {  	_ = 	snop  }
0x7: {  	_ = 	snop  }
__scs_overlays_trampoline_lowered:
0x8: {  	[smem:$0x3FAC] =	sst s0  }
0x9: {  	[smem:$0x3FAD] =	sst s1  }
0xa: {  	[smem:$0x3FAE] =	sst s2  }
0xb: {  	[smem:$0x3FAF] =	sst s3  }
0xc: {  	[smem:$0x3FB0] =	sst s4  }
0xd: {  	[smem:$0x3FB1] =	sst s5  }
0xe: {  	[smem:$0x3FB2] =	sst s6  }
0xf: {  	[smem:$0x3FB3] =	sst s7  }
0x10: {  	[smem:$0x3FB4] =	sst s8  }
0x11: {  	[smem:$0x3FB5] =	sst s9;
	s0 =	simm.s32 @!p0 $0x0  }
0x12: {  	s1 =	sld [smem:$0x3F9B];
	s0 =	simm.s32 @p0 $0x1  }
0x13: {  	[smem:$0x3FB6] =	sst s0;
	s0 =	simm.s32 @!p1 $0x0  }
0x14: {  	s2 =	sld [smem:$0x3F9A];
	s0 =	simm.s32 @p1 $0x1  }
0x15: {  	[smem:$0x3FB7] =	sst s0;
	s0 =	simm.s32 @!p2 $0x0  }
0x16: {  	s3 =	sld [smem:$0x3FDB];
	s0 =	simm.s32 @p2 $0x1  }
0x17: {  	s4 =	simm.s32 $0x1BF5;
	[smem:$0x3FB9] =	sst s0  }
0x18: {  	s0 =	sld [smem:$0x3F9C];
	_ =	swait.ge [sflag:s4], $0x0  }
0x19: {  	s7 =	sld [smem:$0x3F9D]  }
0x1a: {  	s8 =	sadd.s32 $0xFFFFE003, lr  }
0x1b: {  	s9 =	sadd.s32 $0xFFFFFEF7, lr;
	s5 =	simm.s32 $0xFFFFFFFF;
	p2 =	slt.u32 s8, $0xFFFFF086  }
0x1c: {  	p1 =	slt.u32 s9, $0xF7A;
	s5 =	simm.s32 @!p2 $0x0  }
0x1d: {  	s5 =	simm.s32 @p1 $0x1;
	p0 =	seq.s32 s7, s2  }
0x1e: {  	s7 =	smul.u32 @!p0 $0xF7A, s2;
	p2 =	seq.s32 @!p0 s5, $0x0  }
0x1f: {  	s9 =	smul.u32 $0xF7A, s1;
	s8 =	simm.s32 @!p0 $0x1BF5;
	p2 =	por !p2, p0  }
0x20: {  	[sflag:s8] =	ssyncset.s32 @!p0 $0xFFFFF086;
	s6 =	sadd.s32 @!p0 s3, s7;
	s7 =	simm.s32 @!p0 $0x108  }
0x21: {  	s3 =	sadd.s32 s3, s9;
	s6 =	sadd.s32 @!p0 $0x88, s6;
	s7 =	simm.s32 @p2 $0x1082  }
0x22: {  	[simem:s7], [sflag:s8] =	dma.local @!p0 [hbm:s6], $0xF7A  }
0x23: {  	s9 =	sor.u32 $0xD0000000, s2;
	s6 =	simm.s32 $0x108;
	_ =	swait.ge @!p0 [sflag:s8], $0x0  }
0x24: {  	s3 =	sadd.s32 $0x88, s3;
	s6 =	simm.s32 @!p1 $0x1082;
	[sflag:s4] =	ssyncset.s32 $0xFFFFF086  }
0x25: {  	[simem:s6], [sflag:s4] =	dma.local [hbm:s3], $0xF7A  }
0x26: {  	[smem:$0x3F9D] =	sst s1;
	(tag) =	ssettag s2;
	_ =	strace s9  }
0x27: {  	s1 =	sld [smem:$0x3FAD]  }
0x28: {  	s2 =	sld [smem:$0x3FAE]  }
0x29: {  	s4 =	sld [smem:$0x3FB0]  }
0x2a: {  	p0 =	seq.s32 s5, $0x0;
	s5 =	sld [smem:$0x3FB1]  }
0x2b: {  	s6 =	sld [smem:$0x3FB2]  }
0x2c: {  	s7 =	sld [smem:$0x3FB3]  }
0x2d: {  	s3 =	simm.s32 $0x108;
	s8 =	sld [smem:$0x3FB4]  }
0x2e: {  	s3 =	simm.s32 @!p0 $0x1082;
	s9 =	sld [smem:$0x3FB5]  }
0x2f: {  	lr =	sadd.s32 s0, s3;
	s0 =	sld [smem:$0x3FAC]  }
0x30: {  	s3 =	sld [smem:$0x3FAF]  }
0x31: {  	[smem:$0x3FB8] =	sst s10  }
0x32: {  	s10 =	sld [smem:$0x3FB6];
	_ =	sdelay $0x3  }
0x33: {  	p0 =	seq.s32 s10, $0x1;
	s10 =	sld [smem:$0x3FB8];
	_ =	sdelay $0x3  }
0x34: {  	[smem:$0x3FB8] =	sst s10  }
0x35: {  	s10 =	sld [smem:$0x3FB7];
	_ =	sdelay $0x3  }
0x36: {  	p1 =	seq.s32 s10, $0x1;
	s10 =	sld [smem:$0x3FB8];
	_ =	sdelay $0x3  }
0x37: {  	[smem:$0x3FB8] =	sst s10  }
0x38: {  	s10 =	sld [smem:$0x3FB9]  }
0x39: {  	_ = 	snop;
	(pc) =	sbr.ind lr, $3  }
0x3a: {  	_ = 	snop  }
0x3b: {  	_ = 	snop  }
0x3c: {  	p2 =	seq.s32 s10, $0x1;
	s10 =	sld [smem:$0x3FB8]  }
0x3d: {  	_ =	shalt  }
0x3e: {  	_ =	shalt  }
0x3f: {  	_ =	shalt  }
0x40: {  	_ =	shalt  }
0x41: {  	_ =	shalt  }
0x42: {  	_ =	shalt  }
0x43: {  	_ =	shalt  }
0x44: {  	_ =	shalt  }
0x45: {  	_ =	shalt  }
0x46: {  	_ =	shalt  }
0x47: {  	_ =	shalt  }
0x48: {  	_ =	shalt  }
0x49: {  	_ =	shalt  }
0x4a: {  	_ =	shalt  }
0x4b: {  	_ =	shalt  }
0x4c: {  	_ =	shalt  }
0x4d: {  	_ =	shalt  }
0x4e: {  	_ =	shalt  }
0x4f: {  	_ =	shalt  }
0x50: {  	_ =	shalt  }
0x51: {  	_ =	shalt  }
0x52: {  	_ =	shalt  }
0x53: {  	_ =	shalt  }
0x54: {  	_ =	shalt  }
0x55: {  	_ =	shalt  }
0x56: {  	_ =	shalt  }
0x57: {  	_ =	shalt  }
0x58: {  	_ =	shalt  }
0x59: {  	_ =	shalt  }
0x5a: {  	_ =	shalt  }
0x5b: {  	_ =	shalt  }
0x5c: {  	_ =	shalt  }
0x5d: {  	_ =	shalt  }
0x5e: {  	_ =	shalt  }
0x5f: {  	_ =	shalt  }
0x60: {  	_ =	shalt  }
0x61: {  	_ =	shalt  }
0x62: {  	_ =	shalt  }
0x63: {  	_ =	shalt  }
0x64: {  	_ =	shalt  }
0x65: {  	_ =	shalt  }
0x66: {  	_ =	shalt  }
0x67: {  	_ =	shalt  }
0x68: {  	_ =	shalt  }
0x69: {  	_ =	shalt  }
0x6a: {  	_ =	shalt  }
0x6b: {  	_ =	shalt  }
0x6c: {  	_ =	shalt  }
0x6d: {  	_ =	shalt  }
0x6e: {  	_ =	shalt  }
0x6f: {  	_ =	shalt  }
0x70: {  	_ =	shalt  }
0x71: {  	_ =	shalt  }
0x72: {  	_ =	shalt  }
0x73: {  	_ =	shalt  }
0x74: {  	_ =	shalt  }
0x75: {  	_ =	shalt  }
0x76: {  	_ =	shalt  }
0x77: {  	_ =	shalt  }
0x78: {  	_ =	shalt  }
0x79: {  	_ =	shalt  }
0x7a: {  	_ =	shalt  }
0x7b: {  	_ =	shalt  }
0x7c: {  	_ =	shalt  }
0x7d: {  	_ =	shalt  }
0x7e: {  	_ =	shalt  }
0x7f: {  	_ =	shalt  }
0x80: {  	_ =	shalt  }
0x81: {  	_ =	shalt  }
0x82: {  	_ =	shalt  }
0x83: {  	_ =	shalt  }
0x84: {  	_ =	shalt  }
0x85: {  	_ =	shalt  }
0x86: {  	_ =	shalt  }
0x87: {  	_ =	shalt  }
.Lfunc_end0:
.L_simem_size_0:
called_computation_lowered:
.L_overlay_start_0:
0x88: {  	s2 =	sld [smem:$0x3FD9]  }
0x89: {  	s3 =	sld [smem:$0x3FFE];
	_ =	sdelay $0x1  }
0x8a: {  	s1 =	srdreg.scid  }
0x8b: {  	s0 =	sand.u32 $0x1, s1  }
0x8c: {  	s17 =	sshll.u32 s0, $0xA;
	s2 =	sadd.s32 s3, s2  }
0x8d: {  	s2 =	sadd.s32 s2, s17  }
0x8e: {  	[smem:$0x3FC4] =	sst s2  }
0x8f: {  	_ = 	snop  }
0x90: {  	s2 =	sld [smem:$0x3FD0];
	(tm) =	ssettm $0x1  }
0x91: {  	s18 =	sld [smem:$0x3FFB];
	_ =	sdelay $0x3  }
0x92: {  	_ =	strace s18  }
0x93: {  	s3 =	sld [smem:$0x3FFC];
	_ =	sdelay $0x3  }
0x94: {  	_ =	strace s3  }
0x95: {  	s3 =	sld [smem:$0x3FFD];
	_ =	sdelay $0x3  }
0x96: {  	_ =	strace s3  }
0x97: {  	_ =	strace $0x8FFFFFFF  }
0x98: {  	s19 =	sld [smem:$0x3FDB];
	_ =	sdelay $0x1  }
0x99: {  	s4 =	simm.s32 $_scs_section_size  }
0x9a: {  	s5 =	simm.s32 $_size__tile_overlayer_lowered;
	s6 =	simm.s32 $_tile_overlayer_lowered  }
0x9b: {  	s22 =	simm.s32 $0x1BFF;
	s21 =	sshll.u32 s6, $0x1;
	s3 =	sadd.s32 s4, s19  }
0x9c: {  	s7 =	simm.s32 $0x0;
	s20 =	sshll.u32 s5, $0x1;
	s5 =	sadd.s32 s21, s3  }
0x9d: {  	[timem:s7], [sflag:s22] =	dma.local [hbm:s5], s20  }
0x9e: {  	_ =	swait.ge [sflag:s22], s20  }
0x9f: {  	s4 =	ssub.s32 $0x0, s20;
	[sflag:s22] =	ssyncset.done $0x0  }
0xa0: {  	[sflag:s22] =	ssyncadd.s32 s4;
	_ =	sdelay $0x1  }
0xa1: {  	s23 =	simm.s32 $0x1B8B  }
0xa2: {  	_ =	swait.ge [sflag:s23], $0x1  }
0xa3: {  	[sflag:s23] =	ssyncset.done $0x0  }
0xa4: {  	s25 =	simm.s32 $0x1B8E;
	s24 =	sld [smem:$0x3FFE];
	[sflag:s23] =	ssyncadd.s32 $0xFFFFFFFF  }
0xa5: {  	s26 =	simm.s32 $execute0_lowered;
	[smem:$0x3FD2] =	sst s25  }
0xa6: {  	s5 =	sshll.u32 s26, $0x1;
	_ =	strace $0x80000046;
	[dreg:$0x1] =	wrdreg $0xFFFFFFFF  }
0xa7: {  	s28 =	simm.s32 $_size_execute0_lowered;
	s3 =	sadd.s32 s3, s5;
	[dreg:$0x0] =	wrdreg $0x0  }
0xa8: {  	s5 =	sshll.u32 s28, $0x1;
	[dreg:$0x2] =	wrdreg s3  }
0xa9: {  	[dreg:$0x3] =	wrdreg s5  }
0xaa: {  	[dreg:$0x4] =	wrdreg $0xC0  }
0xab: {  	_ =	task [dreg:s7], $0x5FFFF  }
0xac: {  	[dreg:$0x1] =	wrdreg $0xFFFFFFFF  }
0xad: {  	[dreg:$0x0] =	wrdreg $0x60  }
0xae: {  	[dreg:$0x2] =	wrdreg s2  }
0xaf: {  	[dreg:$0x3] =	wrdreg s24  }
0xb0: {  	[dreg:$0x4] =	wrdreg $0x17000  }
0xb1: {  	[dreg:$0x5] =	wrdreg $0x9  }
0xb2: {  	_ =	task.clear_ibuf [dreg:s7], $0x6FFFF;
	_ =	strace $0x90000046  }
0xb3: {  	s29 =	simm.s32 $0x9;
	_ =	strace $0x80000048  }
0xb4: {  	_ =	swait.ge [sflag:s29], $0x1  }
0xb5: {  	[sflag:s29] =	ssyncadd.s32 $0xFFFFFFFF  }
0xb6: {  	_ =	strace $0x90000048  }
0xb7: {  	_ =	sfence  }
0xb8: {  	s30 =	sld [smem:$0x0];
	_ =	sdelay $0x2  }
0xb9: {  	s31 =	sshll.u32 s1, $0xD;
	s1 =	sshrl.u32 s1, $0x2  }
0xba: {  	s3 =	sand.u32 $0x4000, s31;
	s1 =	sadd.s32 s1, s30  }
0xbb: {  	s0 =	sor.u32 s3, s0;
	s1 =	sshll.u32 s1, $0x11  }
0xbc: {  	s0 =	sor.u32 s1, s0  }
0xbd: {  	s0 =	sadd.s32 $0x8F2B, s0  }
0xbe: {  	[sflag:s0] =	ssyncadd.remote.s32 $0x1  }
0xbf: {  	_ =	sfence.sel $0xFFFF  }
0xc0: {  	[dreg:$0x0] =	wrdreg $0xFFFFFFFF;
	(pc) =	sbr.abs _section_cstart, $3  }
0xc1: {  	[dreg:$0x1] =	wrdreg $0xFFFFFFFF  }
0xc2: {  	_ =	task.clear_ibuf [dreg:s7], $0x2FFFF;
	_ =	strace $0x9FFFFFFF  }
0xc3: {  	(tm) =	ssettm $0x7FFFFFFF  }
tec
execute0_lowered:
.L_overlay_start_1:
0x0: {  	(tag) =	ssettag $0x1  }
0x1: {  	s5 =	rddreg [dreg:$0x0]  }
0x2: {  	s4 =	rddreg [dreg:$0x1];
	s1 =	srdreg.scid  }
0x3: {  	s0 =	stileid.u32;
	s2 =	rddreg [dreg:$0x2];
	s3 =	simm.s32 $0x0  }
0x4: {  	s11 =	simm.s32 $0x1400;
	s6 =	sand.u32 $0x1, s1;
	s1 =	rddreg [dreg:$0x3]  }
0x5: {  	s14 =	simm.s32 $0x0;
	s7 =	smul.u32 $0x280, s0;
	[smem:$0x7FF] =	sst s3  }
0x6: {  	s12 =	sshll.u32 s0, $0x6;
	s8 =	smul.u32 $0x2800, s6;
	s9 =	sshll.u32 s6, $0x4  }
0x7: {  	s6 =	ssub.s32 $0x2, s6;
	_ =	strace $0x80000047;
	s9 =	sor.u32 s0, s9  }
0x8: {  	s10 =	sshrl.u32 s6, $0x1;
	s8 =	sadd.s32 s7, s8;
	s9 =	smul.u32 $0x280, s9  }
0x9: {  	s12 =	sor.u32 $0x1C01, s12;
	s10 =	ssub.s32 s6, s10;
	s8 =	sshrl.u32 s8, $0x3  }
0xa: {  	s8 =	sadd.s32 s8, s4;
	s4 =	sadd.s32 s7, s2;
	s5 =	sadd.s32 s5, s9  }
0xb: {  	s7 =	smax.u32 s10, $0x1;
	s9 =	simm.s32 $0x1;
	s10 =	simm.s32 $0x80  }
0xc: {  	v0 =	vimm.f32 $1.000000000e+00;
	v1 =	vimm.f32 $0.0e+00;
	s6 =	sadd.s32 $0x1400, s8;
	s8 =	simm.s32 $0x1480;
	s13 =	sshrl.u32 s4, $0x3  }
.LBB2_1:
0xd: {  	[tilespmem:$0x1400] =	vst v0  }
0xe: {  	[tilespmem:$0x1410] =	vst v0  }
0xf: {  	[tilespmem:$0x1420] =	vst v0  }
0x10: {  	[tilespmem:$0x1430] =	vst v0  }
0x11: {  	[tilespmem:$0x1440] =	vst v0  }
0x12: {  	[tilespmem:$0x1450] =	vst v0  }
0x13: {  	[tilespmem:$0x1460] =	vst v0  }
0x14: {  	[tilespmem:$0x1470] =	vst v0  }
0x15: {  	[tilespmem:$0x1480] =	vst v1  }
0x16: {  	[tilespmem:$0x1490] =	vst v1  }
0x17: {  	[tilespmem:$0x14A0] =	vst v1  }
0x18: {  	[tilespmem:$0x14B0] =	vst v1  }
0x19: {  	[tilespmem:$0x14C0] =	vst v1  }
0x1a: {  	[tilespmem:$0x14D0] =	vst v1  }
0x1b: {  	[tilespmem:$0x14E0] =	vst v1  }
0x1c: {  	[tilespmem:$0x14F0] =	vst v1  }
0x1d: {  	[tilespmem:$0x1500] =	vst v1  }
0x1e: {  	[tilespmem:$0x1510] =	vst v1  }
0x1f: {  	[tilespmem:$0x1520] =	vst v1  }
0x20: {  	[tilespmem:$0x1530] =	vst v1  }
0x21: {  	[tilespmem:$0x1540] =	vst v1  }
0x22: {  	[tilespmem:$0x1550] =	vst v1  }
0x23: {  	[tilespmem:$0x1560] =	vst v1  }
0x24: {  	[tilespmem:$0x1570] =	vst v1  }
0x25: {  	[tilespmem:$0x1580] =	vst v1  }
0x26: {  	[tilespmem:$0x1590] =	vst v1  }
0x27: {  	[tilespmem:$0x15A0] =	vst v1  }
0x28: {  	[tilespmem:$0x15B0] =	vst v1  }
0x29: {  	[tilespmem:$0x15C0] =	vst v1  }
0x2a: {  	[tilespmem:$0x15D0] =	vst v1  }
0x2b: {  	[tilespmem:$0x15E0] =	vst v1  }
0x2c: {  	[tilespmem:$0x15F0] =	vst v1  }
0x2d: {  	[tilespmem:$0x1600] =	vst v1  }
0x2e: {  	[tilespmem:$0x1610] =	vst v1  }
0x2f: {  	[tilespmem:$0x1620] =	vst v1  }
0x30: {  	[tilespmem:$0x1630] =	vst v1  }
0x31: {  	[tilespmem:$0x1640] =	vst v1  }
0x32: {  	[tilespmem:$0x1650] =	vst v1  }
0x33: {  	[tilespmem:$0x1660] =	vst v1  }
0x34: {  	[tilespmem:$0x1670] =	vst v1  }
0x35: {  	[tilespmem:$0x1680] =	vst v1  }
0x36: {  	[tilespmem:$0x1690] =	vst v1  }
0x37: {  	[tilespmem:$0x16A0] =	vst v1  }
0x38: {  	[tilespmem:$0x16B0] =	vst v1  }
0x39: {  	[tilespmem:$0x16C0] =	vst v1  }
0x3a: {  	[tilespmem:$0x16D0] =	vst v1  }
0x3b: {  	[tilespmem:$0x16E0] =	vst v1  }
0x3c: {  	[tilespmem:$0x16F0] =	vst v1  }
0x3d: {  	[spmem:s4] =	stream.linear.scatter [tilespmem:s8], [sflag:$0x1], $0x280, $0x38;
	[tilespmem:$0x1980] =	vst v63  }
0x3e: {  	_ =	swait.ge [sflag:s9], $0x280  }
0x3f: {  	[sflag:s9] =	ssyncset.done $0x0  }
0x40: {  	[sflag:s9] =	ssyncadd.s32 $0xFFFFFD80  }
0x41: {  	[tilespmem:s3], [sflag:$0x1] =	stream.linear.gather [hbm4b:s5+s3], $0x1400, $0x38;
	[tilespmem:$0x1980] =	vst v63  }
0x42: {  	_ =	swait.ge [sflag:s9], $0x1400  }
0x43: {  	[sflag:s9] =	ssyncset.done $0x0  }
0x44: {  	[sflag:s9] =	ssyncadd.s32 $0xFFFFEC00  }
0x45: {  	s15 =	simm.s32 $0x0;
	[bflag:$0x0] =	sbarrier.arrive $0xFFFF  }
0x46: {  	[spmem:s2] =	stream.indirect.scatter.add.f32 [tilespmem:s11], [sflag:$0x1], $0x1, s15, s10, $0xb8;
	[tilespmem:$0x1980] =	vst v63  }
0x47: {  	_ =	swait.ge [sflag:s9], $0x80  }
0x48: {  	s15 =	simm.s32 $0x200;
	[sflag:s9] =	ssyncset.done $0x0  }
.LBB2_2:
0x49: {  	s16 =	sshra.s32 s15, $0x2;
	[sflag:s9] =	ssyncadd.s32 $0xFFFFFF80;
	p0 =	sne.s32 s15, $0x4E00  }
0x4a: {  	[spmem:s2] =	stream.indirect.scatter.add.f32 [tilespmem:s11], [sflag:$0x1], $0x1, s16, s10, $0xb8;
	[tilespmem:$0x1980] =	vst v63  }
.Ltmp0:
0x4b: {  	_ = 	snop;
	(pc) =	sbr.rel @p0 .LBB2_2-.Ltmp0, $4  }
0x4c: {  	_ = 	snop  }
0x4d: {  	s15 =	sadd.s32 $0x200, s15  }
0x4e: {  	_ =	swait.ge [sflag:s9], $0x80  }
0x4f: {  	[sflag:s9] =	ssyncset.done $0x0  }
0x50: {  	s14 =	sadd.s32 $0x1, s14  }
0x51: {  	[sflag:s9] =	ssyncadd.s32 $0xFFFFFF80;
	p0 =	sne.s32 s14, s7  }
.Ltmp1:
0x52: {  	[bflag:$0x0] =	sbarrier.arrive $0xFFFF;
	(pc) =	sbr.rel @p0 .LBB2_1-.Ltmp1, $4  }
0x53: {  	[hbm:s6], [sflag:s12] =	dma.local [spmem:s13], $0x50  }
0x54: {  	_ =	swait.ge [sflag:s9], $0x50  }
0x55: {  	[sflag:s9] =	ssyncset.done $0x0  }
0x56: {  	[sflag:s9] =	ssyncadd.s32 $0xFFFFFFB0  }
0x57: {  	_ =	sfence.sel $0x180000  }
0x58: {  	[bflag:$0x0] =	sbarrier.arrive $0xFFFF  }
0x59: {  	p0 =	sne.s32 s0, $0x0;
	_ =	strace $0x90000047  }
0x5a: {  	s0 =	sadd.s32 @!p0 $0x100000, s1;
	[bflag:$0x2] =	sbarrier.arrive $0xFFFF  }
0x5b: {  	[sflag:s0] =	ssyncadd.tile.s32 @!p0 $0x1;
	_ =	shalt  }
.Lfunc_end2:
_tile_overlayer_lowered:
.L_overlay_start_2:
0x5c: {  	(tag) =	ssettag $0x2  }
0x5d: {  	s0 =	rddreg [dreg:$0x0];
	s2 =	stileid.u32  }
0x5e: {  	s1 =	rddreg [dreg:$0x1];
	p0 =	sne.s32 s2, $0x0  }
0x5f: {  	s3 =	rddreg [dreg:$0x2];
	[bflag:$0x3] =	sbarrier.arrive $0xFFFF;
	s2 =	simm.s32 @!p0 $0x1C01  }
0x60: {  	[timem:s3], [sflag:s2] =	dma.local @!p0 [hbm:s0], s1  }
0x61: {  	s0 =	simm.s32 @!p0 $0x1  }
0x62: {  	_ =	swait.ge @!p0 [sflag:s0], s1  }
0x63: {  	s1 =	ssub.s32 @!p0 $0x0, s1;
	[sflag:s0] =	ssyncset.done @!p0 $0x0  }
0x64: {  	[sflag:s0] =	ssyncadd.s32 @!p0 s1  }
0x65: {  	[bflag:$0x3] =	sbarrier.arrive $0xFFFF  }
0x66: {  	_ =	shalt  }

// kernel: kernel.9.cloned.1.call-start
scs
__scs_entry_jumppad:
0x0: {  	(pc) =	sbr.rel $0x88, $3  }
0x1: {  	(tag) =	ssettag $0x0;
	lr =	simm.s32 $0x1  }
0x2: {  	[smem:$0x3F9D] =	sst lr;
	_ =	strace $0xD0000000  }
0x3: {  	_ = 	snop  }
0x4: {  	_ = 	snop  }
0x5: {  	_ = 	snop  }
0x6: {  	_ = 	snop  }
0x7: {  	_ = 	snop  }
__scs_overlays_trampoline_lowered:
0x8: {  	[smem:$0x3FAC] =	sst s0  }
0x9: {  	[smem:$0x3FAD] =	sst s1  }
0xa: {  	[smem:$0x3FAE] =	sst s2  }
0xb: {  	[smem:$0x3FAF] =	sst s3  }
0xc: {  	[smem:$0x3FB0] =	sst s4  }
0xd: {  	[smem:$0x3FB1] =	sst s5  }
0xe: {  	[smem:$0x3FB2] =	sst s6  }
0xf: {  	[smem:$0x3FB3] =	sst s7  }
0x10: {  	[smem:$0x3FB4] =	sst s8  }
0x11: {  	[smem:$0x3FB5] =	sst s9;
	s0 =	simm.s32 @!p0 $0x0  }
0x12: {  	s1 =	sld [smem:$0x3F9B];
	s0 =	simm.s32 @p0 $0x1  }
0x13: {  	[smem:$0x3FB6] =	sst s0;
	s0 =	simm.s32 @!p1 $0x0  }
0x14: {  	s2 =	sld [smem:$0x3F9A];
	s0 =	simm.s32 @p1 $0x1  }
0x15: {  	[smem:$0x3FB7] =	sst s0;
	s0 =	simm.s32 @!p2 $0x0  }
0x16: {  	s3 =	sld [smem:$0x3FDB];
	s0 =	simm.s32 @p2 $0x1  }
0x17: {  	s4 =	simm.s32 $0x1BF5;
	[smem:$0x3FB9] =	sst s0  }
0x18: {  	s0 =	sld [smem:$0x3F9C];
	_ =	swait.ge [sflag:s4], $0x0  }
0x19: {  	s7 =	sld [smem:$0x3F9D]  }
0x1a: {  	s8 =	sadd.s32 $0xFFFFE003, lr  }
0x1b: {  	s9 =	sadd.s32 $0xFFFFFEF7, lr;
	s5 =	simm.s32 $0xFFFFFFFF;
	p2 =	slt.u32 s8, $0xFFFFF086  }
0x1c: {  	p1 =	slt.u32 s9, $0xF7A;
	s5 =	simm.s32 @!p2 $0x0  }
0x1d: {  	s5 =	simm.s32 @p1 $0x1;
	p0 =	seq.s32 s7, s2  }
0x1e: {  	s7 =	smul.u32 @!p0 $0xF7A, s2;
	p2 =	seq.s32 @!p0 s5, $0x0  }
0x1f: {  	s9 =	smul.u32 $0xF7A, s1;
	s8 =	simm.s32 @!p0 $0x1BF5;
	p2 =	por !p2, p0  }
0x20: {  	[sflag:s8] =	ssyncset.s32 @!p0 $0xFFFFF086;
	s6 =	sadd.s32 @!p0 s3, s7;
	s7 =	simm.s32 @!p0 $0x108  }
0x21: {  	s3 =	sadd.s32 s3, s9;
	s6 =	sadd.s32 @!p0 $0x88, s6;
	s7 =	simm.s32 @p2 $0x1082  }
0x22: {  	[simem:s7], [sflag:s8] =	dma.local @!p0 [hbm:s6], $0xF7A  }
0x23: {  	s9 =	sor.u32 $0xD0000000, s2;
	s6 =	simm.s32 $0x108;
	_ =	swait.ge @!p0 [sflag:s8], $0x0  }
0x24: {  	s3 =	sadd.s32 $0x88, s3;
	s6 =	simm.s32 @!p1 $0x1082;
	[sflag:s4] =	ssyncset.s32 $0xFFFFF086  }
0x25: {  	[simem:s6], [sflag:s4] =	dma.local [hbm:s3], $0xF7A  }
0x26: {  	[smem:$0x3F9D] =	sst s1;
	(tag) =	ssettag s2;
	_ =	strace s9  }
0x27: {  	s1 =	sld [smem:$0x3FAD]  }
0x28: {  	s2 =	sld [smem:$0x3FAE]  }
0x29: {  	s4 =	sld [smem:$0x3FB0]  }
0x2a: {  	p0 =	seq.s32 s5, $0x0;
	s5 =	sld [smem:$0x3FB1]  }
0x2b: {  	s6 =	sld [smem:$0x3FB2]  }
0x2c: {  	s7 =	sld [smem:$0x3FB3]  }
0x2d: {  	s3 =	simm.s32 $0x108;
	s8 =	sld [smem:$0x3FB4]  }
0x2e: {  	s3 =	simm.s32 @!p0 $0x1082;
	s9 =	sld [smem:$0x3FB5]  }
0x2f: {  	lr =	sadd.s32 s0, s3;
	s0 =	sld [smem:$0x3FAC]  }
0x30: {  	s3 =	sld [smem:$0x3FAF]  }
0x31: {  	[smem:$0x3FB8] =	sst s10  }
0x32: {  	s10 =	sld [smem:$0x3FB6];
	_ =	sdelay $0x3  }
0x33: {  	p0 =	seq.s32 s10, $0x1;
	s10 =	sld [smem:$0x3FB8];
	_ =	sdelay $0x3  }
0x34: {  	[smem:$0x3FB8] =	sst s10  }
0x35: {  	s10 =	sld [smem:$0x3FB7];
	_ =	sdelay $0x3  }
0x36: {  	p1 =	seq.s32 s10, $0x1;
	s10 =	sld [smem:$0x3FB8];
	_ =	sdelay $0x3  }
0x37: {  	[smem:$0x3FB8] =	sst s10  }
0x38: {  	s10 =	sld [smem:$0x3FB9]  }
0x39: {  	_ = 	snop;
	(pc) =	sbr.ind lr, $3  }
0x3a: {  	_ = 	snop  }
0x3b: {  	_ = 	snop  }
0x3c: {  	p2 =	seq.s32 s10, $0x1;
	s10 =	sld [smem:$0x3FB8]  }
0x3d: {  	_ =	shalt  }
0x3e: {  	_ =	shalt  }
0x3f: {  	_ =	shalt  }
0x40: {  	_ =	shalt  }
0x41: {  	_ =	shalt  }
0x42: {  	_ =	shalt  }
0x43: {  	_ =	shalt  }
0x44: {  	_ =	shalt  }
0x45: {  	_ =	shalt  }
0x46: {  	_ =	shalt  }
0x47: {  	_ =	shalt  }
0x48: {  	_ =	shalt  }
0x49: {  	_ =	shalt  }
0x4a: {  	_ =	shalt  }
0x4b: {  	_ =	shalt  }
0x4c: {  	_ =	shalt  }
0x4d: {  	_ =	shalt  }
0x4e: {  	_ =	shalt  }
0x4f: {  	_ =	shalt  }
0x50: {  	_ =	shalt  }
0x51: {  	_ =	shalt  }
0x52: {  	_ =	shalt  }
0x53: {  	_ =	shalt  }
0x54: {  	_ =	shalt  }
0x55: {  	_ =	shalt  }
0x56: {  	_ =	shalt  }
0x57: {  	_ =	shalt  }
0x58: {  	_ =	shalt  }
0x59: {  	_ =	shalt  }
0x5a: {  	_ =	shalt  }
0x5b: {  	_ =	shalt  }
0x5c: {  	_ =	shalt  }
0x5d: {  	_ =	shalt  }
0x5e: {  	_ =	shalt  }
0x5f: {  	_ =	shalt  }
0x60: {  	_ =	shalt  }
0x61: {  	_ =	shalt  }
0x62: {  	_ =	shalt  }
0x63: {  	_ =	shalt  }
0x64: {  	_ =	shalt  }
0x65: {  	_ =	shalt  }
0x66: {  	_ =	shalt  }
0x67: {  	_ =	shalt  }
0x68: {  	_ =	shalt  }
0x69: {  	_ =	shalt  }
0x6a: {  	_ =	shalt  }
0x6b: {  	_ =	shalt  }
0x6c: {  	_ =	shalt  }
0x6d: {  	_ =	shalt  }
0x6e: {  	_ =	shalt  }
0x6f: {  	_ =	shalt  }
0x70: {  	_ =	shalt  }
0x71: {  	_ =	shalt  }
0x72: {  	_ =	shalt  }
0x73: {  	_ =	shalt  }
0x74: {  	_ =	shalt  }
0x75: {  	_ =	shalt  }
0x76: {  	_ =	shalt  }
0x77: {  	_ =	shalt  }
0x78: {  	_ =	shalt  }
0x79: {  	_ =	shalt  }
0x7a: {  	_ =	shalt  }
0x7b: {  	_ =	shalt  }
0x7c: {  	_ =	shalt  }
0x7d: {  	_ =	shalt  }
0x7e: {  	_ =	shalt  }
0x7f: {  	_ =	shalt  }
0x80: {  	_ =	shalt  }
0x81: {  	_ =	shalt  }
0x82: {  	_ =	shalt  }
0x83: {  	_ =	shalt  }
0x84: {  	_ =	shalt  }
0x85: {  	_ =	shalt  }
0x86: {  	_ =	shalt  }
0x87: {  	_ =	shalt  }
.Lfunc_end0:
.L_simem_size_0:
called_computation.1_lowered:
.L_overlay_start_0:
0x88: {  	s2 =	sld [smem:$0x3FD9]  }
0x89: {  	s3 =	sld [smem:$0x3FFE];
	_ =	sdelay $0x1  }
0x8a: {  	s1 =	srdreg.scid  }
0x8b: {  	s0 =	sand.u32 $0x1, s1  }
0x8c: {  	s17 =	sshll.u32 s0, $0xA;
	s2 =	sadd.s32 s3, s2  }
0x8d: {  	s2 =	sadd.s32 s2, s17  }
0x8e: {  	[smem:$0x3FC4] =	sst s2  }
0x8f: {  	_ = 	snop  }
0x90: {  	s2 =	sld [smem:$0x3FD0];
	(tm) =	ssettm $0x1  }
0x91: {  	s18 =	sld [smem:$0x3FFB];
	_ =	sdelay $0x3  }
0x92: {  	_ =	strace s18  }
0x93: {  	s3 =	sld [smem:$0x3FFC];
	_ =	sdelay $0x3  }
0x94: {  	_ =	strace s3  }
0x95: {  	s3 =	sld [smem:$0x3FFD];
	_ =	sdelay $0x3  }
0x96: {  	_ =	strace s3  }
0x97: {  	_ =	strace $0x8FFFFFFF  }
0x98: {  	s19 =	sld [smem:$0x3FDB];
	_ =	sdelay $0x1  }
0x99: {  	s4 =	simm.s32 $_scs_section_size  }
0x9a: {  	s5 =	simm.s32 $_size__tile_overlayer_lowered;
	s6 =	simm.s32 $_tile_overlayer_lowered  }
0x9b: {  	s22 =	simm.s32 $0x1BFF;
	s21 =	sshll.u32 s6, $0x1;
	s3 =	sadd.s32 s4, s19  }
0x9c: {  	s7 =	simm.s32 $0x0;
	s20 =	sshll.u32 s5, $0x1;
	s5 =	sadd.s32 s21, s3  }
0x9d: {  	[timem:s7], [sflag:s22] =	dma.local [hbm:s5], s20  }
0x9e: {  	_ =	swait.ge [sflag:s22], s20  }
0x9f: {  	s4 =	ssub.s32 $0x0, s20;
	[sflag:s22] =	ssyncset.done $0x0  }
0xa0: {  	[sflag:s22] =	ssyncadd.s32 s4;
	_ =	sdelay $0x1  }
0xa1: {  	s23 =	simm.s32 $0x1B8B  }
0xa2: {  	_ =	swait.ge [sflag:s23], $0x1  }
0xa3: {  	[sflag:s23] =	ssyncset.done $0x0  }
0xa4: {  	s25 =	simm.s32 $0x1B8E;
	s24 =	sld [smem:$0x3FFE];
	[sflag:s23] =	ssyncadd.s32 $0xFFFFFFFF  }
0xa5: {  	s26 =	simm.s32 $execute0_lowered;
	[smem:$0x3FD2] =	sst s25  }
0xa6: {  	s5 =	sshll.u32 s26, $0x1;
	_ =	strace $0x80000049;
	[dreg:$0x1] =	wrdreg $0xFFFFFFFF  }
0xa7: {  	s28 =	simm.s32 $_size_execute0_lowered;
	s3 =	sadd.s32 s3, s5;
	[dreg:$0x0] =	wrdreg $0x0  }
0xa8: {  	s5 =	sshll.u32 s28, $0x1;
	[dreg:$0x2] =	wrdreg s3  }
0xa9: {  	[dreg:$0x3] =	wrdreg s5  }
0xaa: {  	[dreg:$0x4] =	wrdreg $0xC0  }
0xab: {  	_ =	task [dreg:s7], $0x5FFFF  }
0xac: {  	[dreg:$0x1] =	wrdreg $0xFFFFFFFF  }
0xad: {  	[dreg:$0x0] =	wrdreg $0x60  }
0xae: {  	[dreg:$0x2] =	wrdreg s2  }
0xaf: {  	[dreg:$0x3] =	wrdreg s24  }
0xb0: {  	[dreg:$0x4] =	wrdreg $0x90000  }
0xb1: {  	[dreg:$0x5] =	wrdreg $0x9  }
0xb2: {  	_ =	task.clear_ibuf [dreg:s7], $0x6FFFF;
	_ =	strace $0x90000049  }
0xb3: {  	s29 =	simm.s32 $0x9;
	_ =	strace $0x8000004B  }
0xb4: {  	_ =	swait.ge [sflag:s29], $0x1  }
0xb5: {  	[sflag:s29] =	ssyncadd.s32 $0xFFFFFFFF  }
0xb6: {  	_ =	strace $0x9000004B  }
0xb7: {  	_ =	sfence  }
0xb8: {  	s30 =	sld [smem:$0x0];
	_ =	sdelay $0x2  }
0xb9: {  	s31 =	sshll.u32 s1, $0xD;
	s1 =	sshrl.u32 s1, $0x2  }
0xba: {  	s3 =	sand.u32 $0x4000, s31;
	s1 =	sadd.s32 s1, s30  }
0xbb: {  	s0 =	sor.u32 s3, s0;
	s1 =	sshll.u32 s1, $0x11  }
0xbc: {  	s0 =	sor.u32 s1, s0  }
0xbd: {  	s0 =	sadd.s32 $0x8F2B, s0  }
0xbe: {  	[sflag:s0] =	ssyncadd.remote.s32 $0x1  }
0xbf: {  	_ =	sfence.sel $0xFFFF  }
0xc0: {  	[dreg:$0x0] =	wrdreg $0xFFFFFFFF;
	(pc) =	sbr.abs _section_cstart, $3  }
0xc1: {  	[dreg:$0x1] =	wrdreg $0xFFFFFFFF  }
0xc2: {  	_ =	task.clear_ibuf [dreg:s7], $0x2FFFF;
	_ =	strace $0x9FFFFFFF  }
0xc3: {  	(tm) =	ssettm $0x7FFFFFFF  }
tec
execute0_lowered:
.L_overlay_start_1:
0x0: {  	(tag) =	ssettag $0x1  }
0x1: {  	s17 =	rddreg [dreg:$0x0]  }
0x2: {  	s15 =	rddreg [dreg:$0x1]  }
0x3: {  	s2 =	rddreg [dreg:$0x2];
	s3 =	simm.s32 $0x0;
	s0 =	stileid.u32  }
0x4: {  	s4 =	srdreg.scid;
	s22 =	simm.s32 $0x1;
	s23 =	simm.s32 $0x2800  }
0x5: {  	s24 =	simm.s32 $0x80;
	s25 =	simm.s32 $0x5000;
	s5 =	smul.u32 $0x500, s0  }
0x6: {  	s26 =	simm.s32 $0x0;
	[smem:$0x7FF] =	sst s3;
	s8 =	smul.u32 $0x2780, s0  }
0x7: {  	s16 =	sand.u32 $0x1, s4;
	s4 =	sadd.s32 $0xBE00, s15;
	s7 =	smul.u32 $0x4F000, s0  }
0x8: {  	s20 =	sadd.s32 $0x128400, s2;
	s9 =	sadd.s32 $0x25080, s17;
	s13 =	sadd.s32 $0x7F280, s15  }
0x9: {  	_ =	strace $0x8000004A;
	s6 =	ssub.s32 $0x2, s16;
	p0 =	seq.s32 s16, $0x0  }
0xa: {  	p3 =	sne.s32 s16, $0x0;
	s11 =	sadd.s32 s5, s15;
	s14 =	sadd.s32 s8, s15  }
0xb: {  	s30 =	sshrl.u32 s6, $0x1;
	s31 =	sshrl.u32 s7, $0x2;
	s7 =	sadd.s32 $0x30E80, s15  }
0xc: {  	s15 =	sadd.s32 $0x58080, s15;
	p1 =	seq.s32 @p3 s0, $0xF;
	p4 =	seq.s32 @!p3 s0, $0xF  }
0xd: {  	s18 =	ssub.s32 s6, s30;
	s5 =	sadd.s32 s31, s2;
	s6 =	sadd.s32 s4, s8  }
0xe: {  	s8 =	sadd.s32 s17, s8;
	s10 =	sadd.s32 $0x1E00, s11;
	s11 =	sadd.s32 $0x6E00, s11  }
0xf: {  	s12 =	sadd.s32 $0x5A200, s14;
	s14 =	sadd.s32 $0x33000, s14;
	s4 =	smov.u32 @p0 s17  }
0x10: {  	p0 =	por !p1, !p3;
	p1 =	por p1, !p3;
	p2 =	por !p4, p3  }
0x11: {  	p3 =	por p4, p3;
	s16 =	smax.u32 s18, $0x1;
	s17 =	sshrl.u32 @!p0 s20, $0x3  }
0x12: {  	s18 =	sshll.u32 @!p1 s0, $0x6;
	s19 =	sshrl.u32 @!p1 s5, $0x3;
	s21 =	sshll.u32 @!p3 s0, $0x6  }
0x13: {  	s20 =	sshrl.u32 @!p2 s20, $0x3;
	s18 =	sor.u32 @!p1 $0x1C01, s18;
	s21 =	sor.u32 @!p3 $0x1C01, s21  }
.LBB2_1:
0x14: {  	s28 =	simm.s32 @!p0 $0x1FC1  }
0x15: {  	[spmem:s17], [sflag:s28] =	dma.local @!p0 [hbm:s7], $0x2080  }
0x16: {  	s28 =	simm.s32 @!p0 $0x1  }
0x17: {  	_ =	swait.ge @!p0 [sflag:s28], $0x2080  }
0x18: {  	[sflag:s28] =	ssyncset.done @!p0 $0x0  }
0x19: {  	[sflag:s28] =	ssyncadd.s32 @!p0 $0xFFFFDF80;
	s28 =	simm.s32 @!p1 $0x1  }
0x1a: {  	[spmem:s19], [sflag:s18] =	dma.local @!p1 [hbm:s6], $0x2780  }
0x1b: {  	_ =	swait.ge @!p1 [sflag:s28], $0x2780  }
0x1c: {  	[sflag:s28] =	ssyncset.done @!p1 $0x0  }
0x1d: {  	[sflag:s28] =	ssyncadd.s32 @!p1 $0xFFFFD880;
	s28 =	simm.s32 @!p2 $0x1FC1  }
0x1e: {  	[spmem:s20], [sflag:s28] =	dma.local @!p2 [hbm:s9], $0x2080  }
0x1f: {  	s28 =	simm.s32 @!p2 $0x1  }
0x20: {  	_ =	swait.ge @!p2 [sflag:s28], $0x2080  }
0x21: {  	[sflag:s28] =	ssyncset.done @!p2 $0x0  }
0x22: {  	s29 =	simm.s32 @!p3 $0x1;
	[sflag:s28] =	ssyncadd.s32 @!p2 $0xFFFFDF80;
	s28 =	sshrl.u32 @!p3 s5, $0x3  }
0x23: {  	[spmem:s28], [sflag:s21] =	dma.local @!p3 [hbm:s8], $0x2780  }
0x24: {  	_ =	swait.ge @!p3 [sflag:s29], $0x2780  }
0x25: {  	[sflag:s29] =	ssyncset.done @!p3 $0x0  }
0x26: {  	[sflag:s29] =	ssyncadd.s32 @!p3 $0xFFFFD880  }
0x27: {  	[tilespmem:s3], [sflag:$0x1] =	stream.linear.gather [hbm4b:s10+s3], $0x2780, $0x38;
	[tilespmem:$0x1D000] =	vst v63  }
0x28: {  	_ =	swait.ge [sflag:s22], $0x2780  }
0x29: {  	[sflag:s22] =	ssyncset.done $0x0  }
0x2a: {  	[sflag:s22] =	ssyncadd.s32 $0xFFFFD880  }
0x2b: {  	[tilespmem:s23], [sflag:$0x1] =	stream.linear.gather [hbm4b:s11+s3], $0x2780, $0x38;
	[tilespmem:$0x1D000] =	vst v63  }
0x2c: {  	_ =	swait.ge [sflag:s22], $0x2780  }
0x2d: {  	[sflag:s22] =	ssyncset.done $0x0  }
0x2e: {  	[sflag:s22] =	ssyncadd.s32 $0xFFFFD880  }
0x2f: {  	s29 =	simm.s32 $0x2800;
	[bflag:$0x0] =	sbarrier.arrive $0xFFFF  }
0x30: {  	[tilespmem:s25], [sflag:$0x1] =	stream.indirect.gather [hbm4b:s4+s24], $0x80, s29, s24, $0xb8;
	[tilespmem:$0x1D000] =	vst v63  }
0x31: {  	_ =	swait.ge [sflag:s22], $0x4000  }
0x32: {  	[sflag:s22] =	ssyncset.done $0x0  }
0x33: {  	s29 =	simm.s32 $0x0;
	[sflag:s22] =	ssyncadd.s32 $0xFFFFC000  }
0x34: {  	[spmem:s2] =	stream.indirect.scatter.add.f32 [tilespmem:s25], [sflag:$0x1], $0x80, s29, s24, $0xb8;
	[tilespmem:$0x1D000] =	vst v63  }
0x35: {  	_ =	swait.ge [sflag:s22], $0x4000  }
0x36: {  	s30 =	simm.s32 $0x400;
	s29 =	simm.s32 $0x80;
	[sflag:s22] =	ssyncset.done $0x0  }
.LBB2_2:
0x37: {  	s31 =	sadd.s32 $0x2800, s29  }
0x38: {  	[sflag:s22] =	ssyncadd.s32 $0xFFFFC000;
	s0 =	smov.u32 s30;
	s1 =	sadd.s32 $0x200, s30  }
0x39: {  	[tilespmem:s25], [sflag:$0x1] =	stream.indirect.gather [hbm4b:s4+s24], $0x80, s31, s24, $0xb8;
	[tilespmem:$0x1D000] =	vst v63  }
0x3a: {  	p4 =	sne.s32 s30, $0x9C00;
	_ =	swait.ge [sflag:s22], $0x4000  }
.Ltmp0:
0x3b: {  	[sflag:s22] =	ssyncset.done $0x0;
	(pc) =	sbr.rel @p4 .LBB2_2-.Ltmp0, $4  }
0x3c: {  	[sflag:s22] =	ssyncadd.s32 $0xFFFFC000  }
0x3d: {  	[spmem:s2] =	stream.indirect.scatter.add.f32 [tilespmem:s25], [sflag:$0x1], $0x80, s29, s24, $0xb8;
	[tilespmem:$0x1D000] =	vst v63  }
0x3e: {  	_ =	swait.ge [sflag:s22], $0x4000  }
0x3f: {  	s30 =	smov.u32 s1;
	s29 =	sshra.s32 s0, $0x2;
	[sflag:s22] =	ssyncset.done $0x0  }
0x40: {  	s0 =	sadd.s32 $0x2800, s29;
	[sflag:s22] =	ssyncadd.s32 $0xFFFFC000  }
0x41: {  	[tilespmem:s25], [sflag:$0x1] =	stream.indirect.gather [hbm4b:s4+s24], $0x80, s0, s24, $0xb8;
	[tilespmem:$0x1D000] =	vst v63  }
0x42: {  	_ =	swait.ge [sflag:s22], $0x4000  }
0x43: {  	[sflag:s22] =	ssyncset.done $0x0  }
0x44: {  	[sflag:s22] =	ssyncadd.s32 $0xFFFFC000  }
0x45: {  	[spmem:s2] =	stream.indirect.scatter.add.f32 [tilespmem:s25], [sflag:$0x1], $0x80, s29, s24, $0xb8;
	[tilespmem:$0x1D000] =	vst v63  }
0x46: {  	_ =	swait.ge [sflag:s22], $0x4000  }
0x47: {  	[sflag:s22] =	ssyncset.done $0x0  }
0x48: {  	[sflag:s22] =	ssyncadd.s32 $0xFFFFC000  }
0x49: {  	s0 =	simm.s32 @!p0 $0x1FC1;
	[bflag:$0x0] =	sbarrier.arrive $0xFFFF  }
0x4a: {  	[hbm:s13], [sflag:s0] =	dma.local @!p0 [spmem:s17], $0x2080  }
0x4b: {  	s0 =	simm.s32 @!p0 $0x1  }
0x4c: {  	_ =	swait.ge @!p0 [sflag:s0], $0x2080  }
0x4d: {  	[sflag:s0] =	ssyncset.done @!p0 $0x0  }
0x4e: {  	[sflag:s0] =	ssyncadd.s32 @!p0 $0xFFFFDF80;
	s0 =	simm.s32 @!p1 $0x1  }
0x4f: {  	[hbm:s12], [sflag:s18] =	dma.local @!p1 [spmem:s19], $0x2780  }
0x50: {  	_ =	swait.ge @!p1 [sflag:s0], $0x2780  }
0x51: {  	[sflag:s0] =	ssyncset.done @!p1 $0x0  }
0x52: {  	[sflag:s0] =	ssyncadd.s32 @!p1 $0xFFFFD880;
	s0 =	simm.s32 @!p2 $0x1FC1  }
0x53: {  	[hbm:s15], [sflag:s0] =	dma.local @!p2 [spmem:s20], $0x2080  }
0x54: {  	s0 =	simm.s32 @!p2 $0x1  }
0x55: {  	s26 =	sadd.s32 $0x1, s26;
	_ =	swait.ge @!p2 [sflag:s0], $0x2080  }
0x56: {  	p4 =	sne.s32 s26, s16;
	[sflag:s0] =	ssyncset.done @!p2 $0x0  }
.Ltmp1:
0x57: {  	[sflag:s0] =	ssyncadd.s32 @!p2 $0xFFFFDF80;
	s0 =	simm.s32 @!p3 $0x1;
	(pc) =	sbr.rel @p4 .LBB2_1-.Ltmp1, $4  }
0x58: {  	[hbm:s14], [sflag:s21] =	dma.local @!p3 [spmem:s28], $0x2780  }
0x59: {  	_ =	swait.ge @!p3 [sflag:s0], $0x2780  }
0x5a: {  	[sflag:s0] =	ssyncset.done @!p3 $0x0  }
0x5b: {  	[sflag:s0] =	ssyncadd.s32 @!p3 $0xFFFFD880  }
0x5c: {  	_ =	sfence.sel $0x180000  }
0x5d: {  	[bflag:$0x0] =	sbarrier.arrive $0xFFFF  }
0x5e: {  	_ =	strace $0x9000004A  }
0x5f: {  	s0 =	stileid.u32;
	[bflag:$0x2] =	sbarrier.arrive $0xFFFF  }
0x60: {  	p0 =	sne.s32 s0, $0x0;
	s0 =	rddreg [dreg:$0x3]  }
0x61: {  	s0 =	sadd.s32 @!p0 $0x100000, s0  }
0x62: {  	[sflag:s0] =	ssyncadd.tile.s32 @!p0 $0x1;
	_ =	shalt  }
.Lfunc_end2:
_tile_overlayer_lowered:
.L_overlay_start_2:
0x63: {  	(tag) =	ssettag $0x2  }
0x64: {  	s0 =	rddreg [dreg:$0x0];
	s2 =	stileid.u32  }
0x65: {  	s1 =	rddreg [dreg:$0x1];
	p0 =	sne.s32 s2, $0x0  }
0x66: {  	s3 =	rddreg [dreg:$0x2];
	[bflag:$0x3] =	sbarrier.arrive $0xFFFF;
	s2 =	simm.s32 @!p0 $0x1C01  }
0x67: {  	[timem:s3], [sflag:s2] =	dma.local @!p0 [hbm:s0], s1  }
0x68: {  	s0 =	simm.s32 @!p0 $0x1  }
0x69: {  	_ =	swait.ge @!p0 [sflag:s0], s1  }
0x6a: {  	s1 =	ssub.s32 @!p0 $0x0, s1;
	[sflag:s0] =	ssyncset.done @!p0 $0x0  }
0x6b: {  	[sflag:s0] =	ssyncadd.s32 @!p0 s1  }
0x6c: {  	[bflag:$0x3] =	sbarrier.arrive $0xFFFF  }
0x6d: {  	_ =	shalt  }

</sc_bundles>
